<compile_context>
chip_gen: v7x
topology: tpu7x:2x2x1
jax: 0.10.2.dev20260603
libtpu: 0.0.44.dev20260713+nightly
codegen_flags: <defaults>
</compile_context>

<pallas_src>
import functools

import jax
import jax.numpy as jnp
from jax import lax
from jax.experimental import pallas as pl
from jax.experimental.pallas import tpu as pltpu
from jax.experimental.pallas import tpu_sc as plsc


def _detile_tc(V, E, Wb=8192):
    Q = 128 // E
    P = Wb // Q
    grid = (V + Wb - 1) // Wb
    rows = grid * (Wb * E // 128)

    def body(tin_ref, out_ref):
        xT = tin_ref[...].T
        out_ref[...] = jnp.concatenate(
            [xT[P * q:P * (q + 1)] for q in range(Q)], axis=1
        )

    return rows, pl.pallas_call(
        body,
        grid=(grid,),
        in_specs=[pl.BlockSpec((E, Wb), lambda i: (0, i))],
        out_specs=pl.BlockSpec((Wb * E // 128, 128), lambda i: (i, 0)),
        out_shape=jax.ShapeDtypeStruct((rows, 128), jnp.float32),
    )


def _emb_kernel(N, E, L, NC, NS, CH, Wb):
    NW = NC * NS
    rows_per_w = N // NW
    n_ch = rows_per_w // CH
    reps = CH // L
    mesh = plsc.VectorSubcoreMesh(core_axis_name="c", subcore_axis_name="s")

    @functools.partial(
        pl.kernel,
        mesh=mesh,
        compiler_params=pltpu.CompilerParams(use_tc_tiling_on_sc=False),
        out_type=jax.ShapeDtypeStruct((N, 128), jnp.float32),
        scratch_types=[
            pltpu.VMEM((CH,), jnp.int32),
            pltpu.VMEM((CH, E), jnp.float32),
            pltpu.VMEM((L, E), jnp.float32),
            pltpu.SemaphoreType.DMA,
        ],
    )
    def k(x_hbm, tok_hbm, pos_hbm, out_hbm, idx_v, rows_v, pos_v, sem):
        wid = lax.axis_index("s") * NC + lax.axis_index("c")
        base = wid * rows_per_w
        pltpu.sync_copy(pos_hbm, pos_v)

        def chunk_body(c, carry):
            cb = base + c * CH
            pltpu.sync_copy(x_hbm.at[pl.ds(cb, CH)], idx_v)

            lwb = Wb.bit_length() - 1

            def remap_body(kk, carry2):
                for u in range(10):
                    s = pl.ds((kk * 10 + u) * 16, 16)
                    iv = idx_v[s]
                    idx_v[s] = (
                        ((iv >> lwb) << lwb)
                        + ((iv & (Wb // 4 - 1)) << 2)
                        + ((iv & (Wb - 1)) >> (lwb - 2))
                    )
                return carry2

            lax.fori_loop(0, CH // 160, remap_body, 0)
            pltpu.async_copy(tok_hbm.at[idx_v], rows_v, sem).wait()

            def pos_body(p, carry2):
                for h in range(E // 16):
                    cs = pl.ds(h * 16, 16)
                    pv = pos_v[p, cs]
                    for j in range(reps):
                        r = j * L + p
                        rows_v[r, cs] = rows_v[r, cs] + pv
                return carry2

            lax.fori_loop(0, L, pos_body, 0, unroll=2)
            pltpu.sync_copy(rows_v, out_hbm.at[pl.ds(cb, CH), pl.ds(0, E)])
            return carry

        lax.fori_loop(0, n_ch, chunk_body, 0)

    return k


def kernel(x, token_table, pos_table):
    B, L = x.shape
    V, E = token_table.shape
    N = B * L
    x_flat = x.reshape(N).astype(jnp.int32)
    Wb = 16384
    rows, detile = _detile_tc(V, E, Wb)
    tok_perm = detile(token_table.T).reshape(rows * (128 // E), E)
    k = _emb_kernel(N, E, L, NC=2, NS=16, CH=8 * L, Wb=Wb)
    out = k(x_flat, tok_perm, pos_table)
    return out[:, :E].reshape(B, L, E)

# --- scband reference (transcript-rebuilt; emitter-appended) ---
"""Pipeline reference for scband-positional-embedding-22617297781223 (READ-ONLY COPY).

The authoritative reference and input builder live on the scoring server;
editing this copy changes nothing except your own understanding.
"""

import jax, jax.numpy as jnp
import numpy as np

VOCAB = 1000000
EMBED = 32
MAX_LEN = 200
BATCH = 4096

def setup_inputs(seed: int = 0) -> dict:
    key = jax.random.key(seed)
    k1, k2, k3 = jax.random.split(key, 3)
    x = jax.random.randint(k1, (BATCH, MAX_LEN), 0, VOCAB, dtype=jnp.int64 if jax.config.jax_enable_x64 else jnp.int32)
    token_table = jax.random.normal(k2, (VOCAB, EMBED), dtype=jnp.float32) * 0.02
    pos_table = jax.random.normal(k3, (MAX_LEN, EMBED), dtype=jnp.float32) * 0.02
    return {"x": x, "token_table": token_table, "pos_table": pos_table}

def reference(x, token_table, pos_table):
    # positions = tf.range(0, max_len)
    seq_len = x.shape[-1]
    positions = jnp.arange(seq_len)
    # pos_emb lookup: [L, E]
    pos = jnp.take(pos_table, positions, axis=0)
    # token_emb lookup: [B, L, E]
    tok = jnp.take(token_table, x, axis=0)
    # broadcast add: [B, L, E] + [L, E]
    return tok + pos

if __name__ == "__main__":
    import jax
    _d = setup_inputs()
    print(jax.jit(kernel)(*tuple(_d.values())))

</pallas_src>

<mosaic_0001>
#map = affine_map<(d0, d1) -> (0)>
#map1 = affine_map<(d0, d1) -> (0, 0)>
module attributes {stable_mosaic.version = 14 : i64} {
  func.func @k(%arg0: i32, %arg1: i32, %arg2: memref<819200xi32, #tpu.memory_space<hbm>>, %arg3: memref<1015808x32xf32, #tpu.memory_space<hbm>>, %arg4: memref<200x32xf32, #tpu.memory_space<hbm>>, %arg5: memref<819200x128xf32, #tpu.memory_space<hbm>>, %arg6: memref<1600xi32, #tpu.memory_space<vmem>>, %arg7: memref<1600x32xf32, #tpu.memory_space<vmem>>, %arg8: memref<200x32xf32, #tpu.memory_space<vmem>>, %arg9: memref<!tpu.dma_semaphore, #tpu.memory_space<semaphore_mem>>) attributes {dimension_semantics = [#tpu.dimension_semantics<core_parallel>, #tpu.dimension_semantics<subcore_parallel>], iteration_bounds = array<i64: 2, 16>, scalar_prefetch = 0 : i64, scratch_operands = 4 : i64, tpu.core_type = #tpu.core_type<sc_vector_subcore>, window_params = [{transform_indices = #map}, {transform_indices = #map1}, {transform_indices = #map1}, {transform_indices = #map1}]} {
    %mul3A = arith.constant 2 : i32
    %mul3A_0 = arith.muli %arg1, %mul3A : i32
    %add3A = arith.addi %mul3A_0, %arg0 : i32
    %mul3A_1 = arith.constant 25600 : i32
    %mul3A_2 = arith.muli %add3A, %mul3A_1 : i32
    "tpu.region"() ({
      %run_scoped3A = tpu.sem_alloc : memref<!tpu.dma_semaphore, #tpu.memory_space<semaphore_mem>>
      tpu.enqueue_dma source(%arg4 : memref<200x32xf32, #tpu.memory_space<hbm>>) target(%arg8 : memref<200x32xf32, #tpu.memory_space<vmem>>) target_semaphore(%run_scoped3A : memref<!tpu.dma_semaphore, #tpu.memory_space<semaphore_mem>>)
      tpu.wait_dma2 semaphore(%run_scoped3A : memref<!tpu.dma_semaphore, #tpu.memory_space<semaphore_mem>>) src(%arg4 : memref<200x32xf32, #tpu.memory_space<hbm>>) dst(%arg8 : memref<200x32xf32, #tpu.memory_space<vmem>>)
      tpu.yield
    }) : () -> ()
    %scan3A = arith.constant 0 : i32
    %scan3A_3 = arith.constant 0 : i32
    %scan3A_4 = arith.constant 16 : i32
    %scan3A_5 = arith.addi %scan3A_3, %scan3A_4 : i32
    %scan3A_6 = arith.constant 1 : i32
    scf.for %scan3A_8 = %scan3A_3 to %scan3A_5 step %scan3A_6  : i32 {
      %mul3A_9 = arith.constant 1600 : i32
      %mul3A_10 = arith.muli %scan3A_8, %mul3A_9 : i32
      %add3A_11 = arith.addi %mul3A_2, %mul3A_10 : i32
      "tpu.region"() ({
        %run_scoped3A = tpu.sem_alloc : memref<!tpu.dma_semaphore, #tpu.memory_space<semaphore_mem>>
        %dma_start3A_28 = tpu.memref_slice %arg2[%add3A_11] : memref<819200xi32, #tpu.memory_space<hbm>> -> memref<1600xi32, #tpu.memory_space<hbm>>
        %dma_start3A_29 = tpu.memref_slice %arg2[%add3A_11] : memref<819200xi32, #tpu.memory_space<hbm>> -> memref<1600xi32, #tpu.memory_space<hbm>>
        tpu.enqueue_dma source(%dma_start3A_29 : memref<1600xi32, #tpu.memory_space<hbm>>) target(%arg6 : memref<1600xi32, #tpu.memory_space<vmem>>) target_semaphore(%run_scoped3A : memref<!tpu.dma_semaphore, #tpu.memory_space<semaphore_mem>>)
        %dma_wait3A_30 = tpu.memref_slice %arg2[%add3A_11] : memref<819200xi32, #tpu.memory_space<hbm>> -> memref<1600xi32, #tpu.memory_space<hbm>>
        %dma_wait3A_31 = tpu.memref_slice %arg2[%add3A_11] : memref<819200xi32, #tpu.memory_space<hbm>> -> memref<1600xi32, #tpu.memory_space<hbm>>
        tpu.wait_dma2 semaphore(%run_scoped3A : memref<!tpu.dma_semaphore, #tpu.memory_space<semaphore_mem>>) src(%dma_wait3A_31 : memref<1600xi32, #tpu.memory_space<hbm>>) dst(%arg6 : memref<1600xi32, #tpu.memory_space<vmem>>)
        tpu.yield
      }) : () -> ()
      %scan3A_12 = arith.constant 0 : i32
      %scan3A_13 = arith.constant 0 : i32
      %scan3A_14 = arith.constant 10 : i32
      %scan3A_15 = arith.addi %scan3A_13, %scan3A_14 : i32
      %scan3A_16 = arith.constant 1 : i32
      scf.for %scan3A_28 = %scan3A_13 to %scan3A_15 step %scan3A_16  : i32 {
        %mul3A_29 = arith.constant 10 : i32
        %mul3A_30 = arith.muli %scan3A_28, %mul3A_29 : i32
        %add3A_31 = arith.constant 0 : i32
        %add3A_32 = arith.addi %mul3A_30, %add3A_31 : i32
        %mul3A_33 = arith.constant 16 : i32
        %mul3A_34 = arith.muli %add3A_32, %mul3A_33 : i32
        %get3A = arith.index_cast %mul3A_34 : i32 to index
        %get3A_35 = tpu.vector_load %arg6[%get3A] {strides = array<i32>} : memref<1600xi32, #tpu.memory_space<vmem>>, vector<16xi32>,
        %get3A_36 = vector.shape_cast %get3A_35 : vector<16xi32> to vector<16xi32>
        %shift_right_arithmetic3A = arith.constant 14 : i32
        %shift_right_arithmetic3A_37 = vector.broadcast %shift_right_arithmetic3A : i32 to vector<16xi32>
        %shift_right_arithmetic3A_38 = arith.shrsi %get3A_36, %shift_right_arithmetic3A_37 : vector<16xi32>
        %shift_left3A = arith.constant 14 : i32
        %shift_left3A_39 = vector.broadcast %shift_left3A : i32 to vector<16xi32>
        %shift_left3A_40 = arith.shli %shift_right_arithmetic3A_38, %shift_left3A_39 : vector<16xi32>
        %and3A = arith.constant 4095 : i32
        %and3A_41 = vector.broadcast %and3A : i32 to vector<16xi32>
        %and3A_42 = arith.andi %get3A_36, %and3A_41 : vector<16xi32>
        %shift_left3A_43 = arith.constant 2 : i32
        %shift_left3A_44 = vector.broadcast %shift_left3A_43 : i32 to vector<16xi32>
        %shift_left3A_45 = arith.shli %and3A_42, %shift_left3A_44 : vector<16xi32>
        %add3A_46 = arith.addi %shift_left3A_40, %shift_left3A_45 : vector<16xi32>
        %and3A_47 = arith.constant 16383 : i32
        %and3A_48 = vector.broadcast %and3A_47 : i32 to vector<16xi32>
        %and3A_49 = arith.andi %get3A_36, %and3A_48 : vector<16xi32>
        %shift_right_arithmetic3A_50 = arith.constant 12 : i32
        %shift_right_arithmetic3A_51 = vector.broadcast %shift_right_arithmetic3A_50 : i32 to vector<16xi32>
        %shift_right_arithmetic3A_52 = arith.shrsi %and3A_49, %shift_right_arithmetic3A_51 : vector<16xi32>
        %add3A_53 = arith.addi %add3A_46, %shift_right_arithmetic3A_52 : vector<16xi32>
        %swap3A = arith.index_cast %mul3A_34 : i32 to index
        %swap3A_54 = tpu.vector_load %arg6[%swap3A] {strides = array<i32>} : memref<1600xi32, #tpu.memory_space<vmem>>, vector<16xi32>,
        %swap3A_55 = vector.shape_cast %swap3A_54 : vector<16xi32> to vector<16xi32>
        %swap3A_56 = vector.shape_cast %add3A_53 : vector<16xi32> to vector<16xi32>
        tpu.vector_store %arg6[%swap3A], %swap3A_56 {strides = array<i32>} : memref<1600xi32, #tpu.memory_space<vmem>>, vector<16xi32>,
        %mul3A_57 = arith.constant 10 : i32
        %mul3A_58 = arith.muli %scan3A_28, %mul3A_57 : i32
        %add3A_59 = arith.constant 1 : i32
        %add3A_60 = arith.addi %mul3A_58, %add3A_59 : i32
        %mul3A_61 = arith.constant 16 : i32
        %mul3A_62 = arith.muli %add3A_60, %mul3A_61 : i32
        %get3A_63 = arith.index_cast %mul3A_62 : i32 to index
        %get3A_64 = tpu.vector_load %arg6[%get3A_63] {strides = array<i32>} : memref<1600xi32, #tpu.memory_space<vmem>>, vector<16xi32>,
        %get3A_65 = vector.shape_cast %get3A_64 : vector<16xi32> to vector<16xi32>
        %shift_right_arithmetic3A_66 = arith.constant 14 : i32
        %shift_right_arithmetic3A_67 = vector.broadcast %shift_right_arithmetic3A_66 : i32 to vector<16xi32>
        %shift_right_arithmetic3A_68 = arith.shrsi %get3A_65, %shift_right_arithmetic3A_67 : vector<16xi32>
        %shift_left3A_69 = arith.constant 14 : i32
        %shift_left3A_70 = vector.broadcast %shift_left3A_69 : i32 to vector<16xi32>
        %shift_left3A_71 = arith.shli %shift_right_arithmetic3A_68, %shift_left3A_70 : vector<16xi32>
        %and3A_72 = arith.constant 4095 : i32
        %and3A_73 = vector.broadcast %and3A_72 : i32 to vector<16xi32>
        %and3A_74 = arith.andi %get3A_65, %and3A_73 : vector<16xi32>
        %shift_left3A_75 = arith.constant 2 : i32
        %shift_left3A_76 = vector.broadcast %shift_left3A_75 : i32 to vector<16xi32>
        %shift_left3A_77 = arith.shli %and3A_74, %shift_left3A_76 : vector<16xi32>
        %add3A_78 = arith.addi %shift_left3A_71, %shift_left3A_77 : vector<16xi32>
        %and3A_79 = arith.constant 16383 : i32
        %and3A_80 = vector.broadcast %and3A_79 : i32 to vector<16xi32>
        %and3A_81 = arith.andi %get3A_65, %and3A_80 : vector<16xi32>
        %shift_right_arithmetic3A_82 = arith.constant 12 : i32
        %shift_right_arithmetic3A_83 = vector.broadcast %shift_right_arithmetic3A_82 : i32 to vector<16xi32>
        %shift_right_arithmetic3A_84 = arith.shrsi %and3A_81, %shift_right_arithmetic3A_83 : vector<16xi32>
        %add3A_85 = arith.addi %add3A_78, %shift_right_arithmetic3A_84 : vector<16xi32>
        %swap3A_86 = arith.index_cast %mul3A_62 : i32 to index
        %swap3A_87 = tpu.vector_load %arg6[%swap3A_86] {strides = array<i32>} : memref<1600xi32, #tpu.memory_space<vmem>>, vector<16xi32>,
        %swap3A_88 = vector.shape_cast %swap3A_87 : vector<16xi32> to vector<16xi32>
        %swap3A_89 = vector.shape_cast %add3A_85 : vector<16xi32> to vector<16xi32>
        tpu.vector_store %arg6[%swap3A_86], %swap3A_89 {strides = array<i32>} : memref<1600xi32, #tpu.memory_space<vmem>>, vector<16xi32>,
        %mul3A_90 = arith.constant 10 : i32
        %mul3A_91 = arith.muli %scan3A_28, %mul3A_90 : i32
        %add3A_92 = arith.constant 2 : i32
        %add3A_93 = arith.addi %mul3A_91, %add3A_92 : i32
        %mul3A_94 = arith.constant 16 : i32
        %mul3A_95 = arith.muli %add3A_93, %mul3A_94 : i32
        %get3A_96 = arith.index_cast %mul3A_95 : i32 to index
        %get3A_97 = tpu.vector_load %arg6[%get3A_96] {strides = array<i32>} : memref<1600xi32, #tpu.memory_space<vmem>>, vector<16xi32>,
        %get3A_98 = vector.shape_cast %get3A_97 : vector<16xi32> to vector<16xi32>
        %shift_right_arithmetic3A_99 = arith.constant 14 : i32
        %shift_right_arithmetic3A_100 = vector.broadcast %shift_right_arithmetic3A_99 : i32 to vector<16xi32>
        %shift_right_arithmetic3A_101 = arith.shrsi %get3A_98, %shift_right_arithmetic3A_100 : vector<16xi32>
        %shift_left3A_102 = arith.constant 14 : i32
        %shift_left3A_103 = vector.broadcast %shift_left3A_102 : i32 to vector<16xi32>
        %shift_left3A_104 = arith.shli %shift_right_arithmetic3A_101, %shift_left3A_103 : vector<16xi32>
        %and3A_105 = arith.constant 4095 : i32
        %and3A_106 = vector.broadcast %and3A_105 : i32 to vector<16xi32>
        %and3A_107 = arith.andi %get3A_98, %and3A_106 : vector<16xi32>
        %shift_left3A_108 = arith.constant 2 : i32
        %shift_left3A_109 = vector.broadcast %shift_left3A_108 : i32 to vector<16xi32>
        %shift_left3A_110 = arith.shli %and3A_107, %shift_left3A_109 : vector<16xi32>
        %add3A_111 = arith.addi %shift_left3A_104, %shift_left3A_110 : vector<16xi32>
        %and3A_112 = arith.constant 16383 : i32
        %and3A_113 = vector.broadcast %and3A_112 : i32 to vector<16xi32>
        %and3A_114 = arith.andi %get3A_98, %and3A_113 : vector<16xi32>
        %shift_right_arithmetic3A_115 = arith.constant 12 : i32
        %shift_right_arithmetic3A_116 = vector.broadcast %shift_right_arithmetic3A_115 : i32 to vector<16xi32>
        %shift_right_arithmetic3A_117 = arith.shrsi %and3A_114, %shift_right_arithmetic3A_116 : vector<16xi32>
        %add3A_118 = arith.addi %add3A_111, %shift_right_arithmetic3A_117 : vector<16xi32>
        %swap3A_119 = arith.index_cast %mul3A_95 : i32 to index
        %swap3A_120 = tpu.vector_load %arg6[%swap3A_119] {strides = array<i32>} : memref<1600xi32, #tpu.memory_space<vmem>>, vector<16xi32>,
        %swap3A_121 = vector.shape_cast %swap3A_120 : vector<16xi32> to vector<16xi32>
        %swap3A_122 = vector.shape_cast %add3A_118 : vector<16xi32> to vector<16xi32>
        tpu.vector_store %arg6[%swap3A_119], %swap3A_122 {strides = array<i32>} : memref<1600xi32, #tpu.memory_space<vmem>>, vector<16xi32>,
        %mul3A_123 = arith.constant 10 : i32
        %mul3A_124 = arith.muli %scan3A_28, %mul3A_123 : i32
        %add3A_125 = arith.constant 3 : i32
        %add3A_126 = arith.addi %mul3A_124, %add3A_125 : i32
        %mul3A_127 = arith.constant 16 : i32
        %mul3A_128 = arith.muli %add3A_126, %mul3A_127 : i32
        %get3A_129 = arith.index_cast %mul3A_128 : i32 to index
        %get3A_130 = tpu.vector_load %arg6[%get3A_129] {strides = array<i32>} : memref<1600xi32, #tpu.memory_space<vmem>>, vector<16xi32>,
        %get3A_131 = vector.shape_cast %get3A_130 : vector<16xi32> to vector<16xi32>
        %shift_right_arithmetic3A_132 = arith.constant 14 : i32
        %shift_right_arithmetic3A_133 = vector.broadcast %shift_right_arithmetic3A_132 : i32 to vector<16xi32>
        %shift_right_arithmetic3A_134 = arith.shrsi %get3A_131, %shift_right_arithmetic3A_133 : vector<16xi32>
        %shift_left3A_135 = arith.constant 14 : i32
        %shift_left3A_136 = vector.broadcast %shift_left3A_135 : i32 to vector<16xi32>
        %shift_left3A_137 = arith.shli %shift_right_arithmetic3A_134, %shift_left3A_136 : vector<16xi32>
        %and3A_138 = arith.constant 4095 : i32
        %and3A_139 = vector.broadcast %and3A_138 : i32 to vector<16xi32>
        %and3A_140 = arith.andi %get3A_131, %and3A_139 : vector<16xi32>
        %shift_left3A_141 = arith.constant 2 : i32
        %shift_left3A_142 = vector.broadcast %shift_left3A_141 : i32 to vector<16xi32>
        %shift_left3A_143 = arith.shli %and3A_140, %shift_left3A_142 : vector<16xi32>
        %add3A_144 = arith.addi %shift_left3A_137, %shift_left3A_143 : vector<16xi32>
        %and3A_145 = arith.constant 16383 : i32
        %and3A_146 = vector.broadcast %and3A_145 : i32 to vector<16xi32>
        %and3A_147 = arith.andi %get3A_131, %and3A_146 : vector<16xi32>
        %shift_right_arithmetic3A_148 = arith.constant 12 : i32
        %shift_right_arithmetic3A_149 = vector.broadcast %shift_right_arithmetic3A_148 : i32 to vector<16xi32>
        %shift_right_arithmetic3A_150 = arith.shrsi %and3A_147, %shift_right_arithmetic3A_149 : vector<16xi32>
        %add3A_151 = arith.addi %add3A_144, %shift_right_arithmetic3A_150 : vector<16xi32>
        %swap3A_152 = arith.index_cast %mul3A_128 : i32 to index
        %swap3A_153 = tpu.vector_load %arg6[%swap3A_152] {strides = array<i32>} : memref<1600xi32, #tpu.memory_space<vmem>>, vector<16xi32>,
        %swap3A_154 = vector.shape_cast %swap3A_153 : vector<16xi32> to vector<16xi32>
        %swap3A_155 = vector.shape_cast %add3A_151 : vector<16xi32> to vector<16xi32>
        tpu.vector_store %arg6[%swap3A_152], %swap3A_155 {strides = array<i32>} : memref<1600xi32, #tpu.memory_space<vmem>>, vector<16xi32>,
        %mul3A_156 = arith.constant 10 : i32
        %mul3A_157 = arith.muli %scan3A_28, %mul3A_156 : i32
        %add3A_158 = arith.constant 4 : i32
        %add3A_159 = arith.addi %mul3A_157, %add3A_158 : i32
        %mul3A_160 = arith.constant 16 : i32
        %mul3A_161 = arith.muli %add3A_159, %mul3A_160 : i32
        %get3A_162 = arith.index_cast %mul3A_161 : i32 to index
        %get3A_163 = tpu.vector_load %arg6[%get3A_162] {strides = array<i32>} : memref<1600xi32, #tpu.memory_space<vmem>>, vector<16xi32>,
        %get3A_164 = vector.shape_cast %get3A_163 : vector<16xi32> to vector<16xi32>
        %shift_right_arithmetic3A_165 = arith.constant 14 : i32
        %shift_right_arithmetic3A_166 = vector.broadcast %shift_right_arithmetic3A_165 : i32 to vector<16xi32>
        %shift_right_arithmetic3A_167 = arith.shrsi %get3A_164, %shift_right_arithmetic3A_166 : vector<16xi32>
        %shift_left3A_168 = arith.constant 14 : i32
        %shift_left3A_169 = vector.broadcast %shift_left3A_168 : i32 to vector<16xi32>
        %shift_left3A_170 = arith.shli %shift_right_arithmetic3A_167, %shift_left3A_169 : vector<16xi32>
        %and3A_171 = arith.constant 4095 : i32
        %and3A_172 = vector.broadcast %and3A_171 : i32 to vector<16xi32>
        %and3A_173 = arith.andi %get3A_164, %and3A_172 : vector<16xi32>
        %shift_left3A_174 = arith.constant 2 : i32
        %shift_left3A_175 = vector.broadcast %shift_left3A_174 : i32 to vector<16xi32>
        %shift_left3A_176 = arith.shli %and3A_173, %shift_left3A_175 : vector<16xi32>
        %add3A_177 = arith.addi %shift_left3A_170, %shift_left3A_176 : vector<16xi32>
        %and3A_178 = arith.constant 16383 : i32
        %and3A_179 = vector.broadcast %and3A_178 : i32 to vector<16xi32>
        %and3A_180 = arith.andi %get3A_164, %and3A_179 : vector<16xi32>
        %shift_right_arithmetic3A_181 = arith.constant 12 : i32
        %shift_right_arithmetic3A_182 = vector.broadcast %shift_right_arithmetic3A_181 : i32 to vector<16xi32>
        %shift_right_arithmetic3A_183 = arith.shrsi %and3A_180, %shift_right_arithmetic3A_182 : vector<16xi32>
        %add3A_184 = arith.addi %add3A_177, %shift_right_arithmetic3A_183 : vector<16xi32>
        %swap3A_185 = arith.index_cast %mul3A_161 : i32 to index
        %swap3A_186 = tpu.vector_load %arg6[%swap3A_185] {strides = array<i32>} : memref<1600xi32, #tpu.memory_space<vmem>>, vector<16xi32>,
        %swap3A_187 = vector.shape_cast %swap3A_186 : vector<16xi32> to vector<16xi32>
        %swap3A_188 = vector.shape_cast %add3A_184 : vector<16xi32> to vector<16xi32>
        tpu.vector_store %arg6[%swap3A_185], %swap3A_188 {strides = array<i32>} : memref<1600xi32, #tpu.memory_space<vmem>>, vector<16xi32>,
        %mul3A_189 = arith.constant 10 : i32
        %mul3A_190 = arith.muli %scan3A_28, %mul3A_189 : i32
        %add3A_191 = arith.constant 5 : i32
        %add3A_192 = arith.addi %mul3A_190, %add3A_191 : i32
        %mul3A_193 = arith.constant 16 : i32
        %mul3A_194 = arith.muli %add3A_192, %mul3A_193 : i32
        %get3A_195 = arith.index_cast %mul3A_194 : i32 to index
        %get3A_196 = tpu.vector_load %arg6[%get3A_195] {strides = array<i32>} : memref<1600xi32, #tpu.memory_space<vmem>>, vector<16xi32>,
        %get3A_197 = vector.shape_cast %get3A_196 : vector<16xi32> to vector<16xi32>
        %shift_right_arithmetic3A_198 = arith.constant 14 : i32
        %shift_right_arithmetic3A_199 = vector.broadcast %shift_right_arithmetic3A_198 : i32 to vector<16xi32>
        %shift_right_arithmetic3A_200 = arith.shrsi %get3A_197, %shift_right_arithmetic3A_199 : vector<16xi32>
        %shift_left3A_201 = arith.constant 14 : i32
        %shift_left3A_202 = vector.broadcast %shift_left3A_201 : i32 to vector<16xi32>
        %shift_left3A_203 = arith.shli %shift_right_arithmetic3A_200, %shift_left3A_202 : vector<16xi32>
        %and3A_204 = arith.constant 4095 : i32
        %and3A_205 = vector.broadcast %and3A_204 : i32 to vector<16xi32>
        %and3A_206 = arith.andi %get3A_197, %and3A_205 : vector<16xi32>
        %shift_left3A_207 = arith.constant 2 : i32
        %shift_left3A_208 = vector.broadcast %shift_left3A_207 : i32 to vector<16xi32>
        %shift_left3A_209 = arith.shli %and3A_206, %shift_left3A_208 : vector<16xi32>
        %add3A_210 = arith.addi %shift_left3A_203, %shift_left3A_209 : vector<16xi32>
        %and3A_211 = arith.constant 16383 : i32
        %and3A_212 = vector.broadcast %and3A_211 : i32 to vector<16xi32>
        %and3A_213 = arith.andi %get3A_197, %and3A_212 : vector<16xi32>
        %shift_right_arithmetic3A_214 = arith.constant 12 : i32
        %shift_right_arithmetic3A_215 = vector.broadcast %shift_right_arithmetic3A_214 : i32 to vector<16xi32>
        %shift_right_arithmetic3A_216 = arith.shrsi %and3A_213, %shift_right_arithmetic3A_215 : vector<16xi32>
        %add3A_217 = arith.addi %add3A_210, %shift_right_arithmetic3A_216 : vector<16xi32>
        %swap3A_218 = arith.index_cast %mul3A_194 : i32 to index
        %swap3A_219 = tpu.vector_load %arg6[%swap3A_218] {strides = array<i32>} : memref<1600xi32, #tpu.memory_space<vmem>>, vector<16xi32>,
        %swap3A_220 = vector.shape_cast %swap3A_219 : vector<16xi32> to vector<16xi32>
        %swap3A_221 = vector.shape_cast %add3A_217 : vector<16xi32> to vector<16xi32>
        tpu.vector_store %arg6[%swap3A_218], %swap3A_221 {strides = array<i32>} : memref<1600xi32, #tpu.memory_space<vmem>>, vector<16xi32>,
        %mul3A_222 = arith.constant 10 : i32
        %mul3A_223 = arith.muli %scan3A_28, %mul3A_222 : i32
        %add3A_224 = arith.constant 6 : i32
        %add3A_225 = arith.addi %mul3A_223, %add3A_224 : i32
        %mul3A_226 = arith.constant 16 : i32
        %mul3A_227 = arith.muli %add3A_225, %mul3A_226 : i32
        %get3A_228 = arith.index_cast %mul3A_227 : i32 to index
        %get3A_229 = tpu.vector_load %arg6[%get3A_228] {strides = array<i32>} : memref<1600xi32, #tpu.memory_space<vmem>>, vector<16xi32>,
        %get3A_230 = vector.shape_cast %get3A_229 : vector<16xi32> to vector<16xi32>
        %shift_right_arithmetic3A_231 = arith.constant 14 : i32
        %shift_right_arithmetic3A_232 = vector.broadcast %shift_right_arithmetic3A_231 : i32 to vector<16xi32>
        %shift_right_arithmetic3A_233 = arith.shrsi %get3A_230, %shift_right_arithmetic3A_232 : vector<16xi32>
        %shift_left3A_234 = arith.constant 14 : i32
        %shift_left3A_235 = vector.broadcast %shift_left3A_234 : i32 to vector<16xi32>
        %shift_left3A_236 = arith.shli %shift_right_arithmetic3A_233, %shift_left3A_235 : vector<16xi32>
        %and3A_237 = arith.constant 4095 : i32
        %and3A_238 = vector.broadcast %and3A_237 : i32 to vector<16xi32>
        %and3A_239 = arith.andi %get3A_230, %and3A_238 : vector<16xi32>
        %shift_left3A_240 = arith.constant 2 : i32
        %shift_left3A_241 = vector.broadcast %shift_left3A_240 : i32 to vector<16xi32>
        %shift_left3A_242 = arith.shli %and3A_239, %shift_left3A_241 : vector<16xi32>
        %add3A_243 = arith.addi %shift_left3A_236, %shift_left3A_242 : vector<16xi32>
        %and3A_244 = arith.constant 16383 : i32
        %and3A_245 = vector.broadcast %and3A_244 : i32 to vector<16xi32>
        %and3A_246 = arith.andi %get3A_230, %and3A_245 : vector<16xi32>
        %shift_right_arithmetic3A_247 = arith.constant 12 : i32
        %shift_right_arithmetic3A_248 = vector.broadcast %shift_right_arithmetic3A_247 : i32 to vector<16xi32>
        %shift_right_arithmetic3A_249 = arith.shrsi %and3A_246, %shift_right_arithmetic3A_248 : vector<16xi32>
        %add3A_250 = arith.addi %add3A_243, %shift_right_arithmetic3A_249 : vector<16xi32>
        %swap3A_251 = arith.index_cast %mul3A_227 : i32 to index
        %swap3A_252 = tpu.vector_load %arg6[%swap3A_251] {strides = array<i32>} : memref<1600xi32, #tpu.memory_space<vmem>>, vector<16xi32>,
        %swap3A_253 = vector.shape_cast %swap3A_252 : vector<16xi32> to vector<16xi32>
        %swap3A_254 = vector.shape_cast %add3A_250 : vector<16xi32> to vector<16xi32>
        tpu.vector_store %arg6[%swap3A_251], %swap3A_254 {strides = array<i32>} : memref<1600xi32, #tpu.memory_space<vmem>>, vector<16xi32>,
        %mul3A_255 = arith.constant 10 : i32
        %mul3A_256 = arith.muli %scan3A_28, %mul3A_255 : i32
        %add3A_257 = arith.constant 7 : i32
        %add3A_258 = arith.addi %mul3A_256, %add3A_257 : i32
        %mul3A_259 = arith.constant 16 : i32
        %mul3A_260 = arith.muli %add3A_258, %mul3A_259 : i32
        %get3A_261 = arith.index_cast %mul3A_260 : i32 to index
        %get3A_262 = tpu.vector_load %arg6[%get3A_261] {strides = array<i32>} : memref<1600xi32, #tpu.memory_space<vmem>>, vector<16xi32>,
        %get3A_263 = vector.shape_cast %get3A_262 : vector<16xi32> to vector<16xi32>
        %shift_right_arithmetic3A_264 = arith.constant 14 : i32
        %shift_right_arithmetic3A_265 = vector.broadcast %shift_right_arithmetic3A_264 : i32 to vector<16xi32>
        %shift_right_arithmetic3A_266 = arith.shrsi %get3A_263, %shift_right_arithmetic3A_265 : vector<16xi32>
        %shift_left3A_267 = arith.constant 14 : i32
        %shift_left3A_268 = vector.broadcast %shift_left3A_267 : i32 to vector<16xi32>
        %shift_left3A_269 = arith.shli %shift_right_arithmetic3A_266, %shift_left3A_268 : vector<16xi32>
        %and3A_270 = arith.constant 4095 : i32
        %and3A_271 = vector.broadcast %and3A_270 : i32 to vector<16xi32>
        %and3A_272 = arith.andi %get3A_263, %and3A_271 : vector<16xi32>
        %shift_left3A_273 = arith.constant 2 : i32
        %shift_left3A_274 = vector.broadcast %shift_left3A_273 : i32 to vector<16xi32>
        %shift_left3A_275 = arith.shli %and3A_272, %shift_left3A_274 : vector<16xi32>
        %add3A_276 = arith.addi %shift_left3A_269, %shift_left3A_275 : vector<16xi32>
        %and3A_277 = arith.constant 16383 : i32
        %and3A_278 = vector.broadcast %and3A_277 : i32 to vector<16xi32>
        %and3A_279 = arith.andi %get3A_263, %and3A_278 : vector<16xi32>
        %shift_right_arithmetic3A_280 = arith.constant 12 : i32
        %shift_right_arithmetic3A_281 = vector.broadcast %shift_right_arithmetic3A_280 : i32 to vector<16xi32>
        %shift_right_arithmetic3A_282 = arith.shrsi %and3A_279, %shift_right_arithmetic3A_281 : vector<16xi32>
        %add3A_283 = arith.addi %add3A_276, %shift_right_arithmetic3A_282 : vector<16xi32>
        %swap3A_284 = arith.index_cast %mul3A_260 : i32 to index
        %swap3A_285 = tpu.vector_load %arg6[%swap3A_284] {strides = array<i32>} : memref<1600xi32, #tpu.memory_space<vmem>>, vector<16xi32>,
        %swap3A_286 = vector.shape_cast %swap3A_285 : vector<16xi32> to vector<16xi32>
        %swap3A_287 = vector.shape_cast %add3A_283 : vector<16xi32> to vector<16xi32>
        tpu.vector_store %arg6[%swap3A_284], %swap3A_287 {strides = array<i32>} : memref<1600xi32, #tpu.memory_space<vmem>>, vector<16xi32>,
        %mul3A_288 = arith.constant 10 : i32
        %mul3A_289 = arith.muli %scan3A_28, %mul3A_288 : i32
        %add3A_290 = arith.constant 8 : i32
        %add3A_291 = arith.addi %mul3A_289, %add3A_290 : i32
        %mul3A_292 = arith.constant 16 : i32
        %mul3A_293 = arith.muli %add3A_291, %mul3A_292 : i32
        %get3A_294 = arith.index_cast %mul3A_293 : i32 to index
        %get3A_295 = tpu.vector_load %arg6[%get3A_294] {strides = array<i32>} : memref<1600xi32, #tpu.memory_space<vmem>>, vector<16xi32>,
        %get3A_296 = vector.shape_cast %get3A_295 : vector<16xi32> to vector<16xi32>
        %shift_right_arithmetic3A_297 = arith.constant 14 : i32
        %shift_right_arithmetic3A_298 = vector.broadcast %shift_right_arithmetic3A_297 : i32 to vector<16xi32>
        %shift_right_arithmetic3A_299 = arith.shrsi %get3A_296, %shift_right_arithmetic3A_298 : vector<16xi32>
        %shift_left3A_300 = arith.constant 14 : i32
        %shift_left3A_301 = vector.broadcast %shift_left3A_300 : i32 to vector<16xi32>
        %shift_left3A_302 = arith.shli %shift_right_arithmetic3A_299, %shift_left3A_301 : vector<16xi32>
        %and3A_303 = arith.constant 4095 : i32
        %and3A_304 = vector.broadcast %and3A_303 : i32 to vector<16xi32>
        %and3A_305 = arith.andi %get3A_296, %and3A_304 : vector<16xi32>
        %shift_left3A_306 = arith.constant 2 : i32
        %shift_left3A_307 = vector.broadcast %shift_left3A_306 : i32 to vector<16xi32>
        %shift_left3A_308 = arith.shli %and3A_305, %shift_left3A_307 : vector<16xi32>
        %add3A_309 = arith.addi %shift_left3A_302, %shift_left3A_308 : vector<16xi32>
        %and3A_310 = arith.constant 16383 : i32
        %and3A_311 = vector.broadcast %and3A_310 : i32 to vector<16xi32>
        %and3A_312 = arith.andi %get3A_296, %and3A_311 : vector<16xi32>
        %shift_right_arithmetic3A_313 = arith.constant 12 : i32
        %shift_right_arithmetic3A_314 = vector.broadcast %shift_right_arithmetic3A_313 : i32 to vector<16xi32>
        %shift_right_arithmetic3A_315 = arith.shrsi %and3A_312, %shift_right_arithmetic3A_314 : vector<16xi32>
        %add3A_316 = arith.addi %add3A_309, %shift_right_arithmetic3A_315 : vector<16xi32>
        %swap3A_317 = arith.index_cast %mul3A_293 : i32 to index
        %swap3A_318 = tpu.vector_load %arg6[%swap3A_317] {strides = array<i32>} : memref<1600xi32, #tpu.memory_space<vmem>>, vector<16xi32>,
        %swap3A_319 = vector.shape_cast %swap3A_318 : vector<16xi32> to vector<16xi32>
        %swap3A_320 = vector.shape_cast %add3A_316 : vector<16xi32> to vector<16xi32>
        tpu.vector_store %arg6[%swap3A_317], %swap3A_320 {strides = array<i32>} : memref<1600xi32, #tpu.memory_space<vmem>>, vector<16xi32>,
        %mul3A_321 = arith.constant 10 : i32
        %mul3A_322 = arith.muli %scan3A_28, %mul3A_321 : i32
        %add3A_323 = arith.constant 9 : i32
        %add3A_324 = arith.addi %mul3A_322, %add3A_323 : i32
        %mul3A_325 = arith.constant 16 : i32
        %mul3A_326 = arith.muli %add3A_324, %mul3A_325 : i32
        %get3A_327 = arith.index_cast %mul3A_326 : i32 to index
        %get3A_328 = tpu.vector_load %arg6[%get3A_327] {strides = array<i32>} : memref<1600xi32, #tpu.memory_space<vmem>>, vector<16xi32>,
        %get3A_329 = vector.shape_cast %get3A_328 : vector<16xi32> to vector<16xi32>
        %shift_right_arithmetic3A_330 = arith.constant 14 : i32
        %shift_right_arithmetic3A_331 = vector.broadcast %shift_right_arithmetic3A_330 : i32 to vector<16xi32>
        %shift_right_arithmetic3A_332 = arith.shrsi %get3A_329, %shift_right_arithmetic3A_331 : vector<16xi32>
        %shift_left3A_333 = arith.constant 14 : i32
        %shift_left3A_334 = vector.broadcast %shift_left3A_333 : i32 to vector<16xi32>
        %shift_left3A_335 = arith.shli %shift_right_arithmetic3A_332, %shift_left3A_334 : vector<16xi32>
        %and3A_336 = arith.constant 4095 : i32
        %and3A_337 = vector.broadcast %and3A_336 : i32 to vector<16xi32>
        %and3A_338 = arith.andi %get3A_329, %and3A_337 : vector<16xi32>
        %shift_left3A_339 = arith.constant 2 : i32
        %shift_left3A_340 = vector.broadcast %shift_left3A_339 : i32 to vector<16xi32>
        %shift_left3A_341 = arith.shli %and3A_338, %shift_left3A_340 : vector<16xi32>
        %add3A_342 = arith.addi %shift_left3A_335, %shift_left3A_341 : vector<16xi32>
        %and3A_343 = arith.constant 16383 : i32
        %and3A_344 = vector.broadcast %and3A_343 : i32 to vector<16xi32>
        %and3A_345 = arith.andi %get3A_329, %and3A_344 : vector<16xi32>
        %shift_right_arithmetic3A_346 = arith.constant 12 : i32
        %shift_right_arithmetic3A_347 = vector.broadcast %shift_right_arithmetic3A_346 : i32 to vector<16xi32>
        %shift_right_arithmetic3A_348 = arith.shrsi %and3A_345, %shift_right_arithmetic3A_347 : vector<16xi32>
        %add3A_349 = arith.addi %add3A_342, %shift_right_arithmetic3A_348 : vector<16xi32>
        %swap3A_350 = arith.index_cast %mul3A_326 : i32 to index
        %swap3A_351 = tpu.vector_load %arg6[%swap3A_350] {strides = array<i32>} : memref<1600xi32, #tpu.memory_space<vmem>>, vector<16xi32>,
        %swap3A_352 = vector.shape_cast %swap3A_351 : vector<16xi32> to vector<16xi32>
        %swap3A_353 = vector.shape_cast %add3A_349 : vector<16xi32> to vector<16xi32>
        tpu.vector_store %arg6[%swap3A_350], %swap3A_353 {strides = array<i32>} : memref<1600xi32, #tpu.memory_space<vmem>>, vector<16xi32>,
      }
      %scan3A_17 = arith.constant 10 : i32
      %dma_start3A = arith.constant 0 : i32
      %dma_start3A_18 = arith.constant 0 : i32
      %dma_start3A_19 = tpu.memref_slice %arg3[%dma_start3A, %dma_start3A_18] : memref<1015808x32xf32, #tpu.memory_space<hbm>> -> memref<1015808x32xf32, #tpu.memory_space<hbm>>
      tpu.enqueue_indirect_dma source(%dma_start3A_19 : memref<1015808x32xf32, #tpu.memory_space<hbm>>) target(%arg7 : memref<1600x32xf32, #tpu.memory_space<vmem>>) offsets(%arg6 : memref<1600xi32, #tpu.memory_space<vmem>>) semaphore(%arg9 : memref<!tpu.dma_semaphore, #tpu.memory_space<semaphore_mem>>)
      %dma_wait3A = arith.constant 0 : i32
      %dma_wait3A_20 = arith.constant 0 : i32
      %dma_wait3A_21 = tpu.memref_slice %arg3[%dma_wait3A, %dma_wait3A_20] : memref<1015808x32xf32, #tpu.memory_space<hbm>> -> memref<1015808x32xf32, #tpu.memory_space<hbm>>
      tpu.wait_indirect_dma semaphore(%arg9 : memref<!tpu.dma_semaphore, #tpu.memory_space<semaphore_mem>>) src(%dma_wait3A_21 : memref<1015808x32xf32, #tpu.memory_space<hbm>>) dst(%arg7 : memref<1600x32xf32, #tpu.memory_space<vmem>>)
      %scan3A_22 = arith.constant 0 : i32
      %scan3A_23 = arith.constant 0 : i32
      %scan3A_24 = arith.constant 200 : i32
      %scan3A_25 = arith.addi %scan3A_23, %scan3A_24 : i32
      %scan3A_26 = arith.constant 2 : i32
      scf.for %scan3A_28 = %scan3A_23 to %scan3A_25 step %scan3A_26  : i32 {
        %get3A = arith.index_cast %scan3A_28 : i32 to index
        %get3A_29 = arith.constant 0 : index
        %get3A_30 = tpu.vector_load %arg8[%get3A, %get3A_29] {strides = array<i32>} : memref<200x32xf32, #tpu.memory_space<vmem>>, vector<1x16xf32>,
        %get3A_31 = vector.shape_cast %get3A_30 : vector<1x16xf32> to vector<16xf32>
        %add3A_32 = arith.constant 0 : i32
        %add3A_33 = arith.addi %add3A_32, %scan3A_28 : i32
        %get3A_34 = arith.index_cast %add3A_33 : i32 to index
        %get3A_35 = arith.constant 0 : index
        %get3A_36 = tpu.vector_load %arg7[%get3A_34, %get3A_35] {strides = array<i32>} : memref<1600x32xf32, #tpu.memory_space<vmem>>, vector<1x16xf32>,
        %get3A_37 = vector.shape_cast %get3A_36 : vector<1x16xf32> to vector<16xf32>
        %add3A_38 = arith.addf %get3A_37, %get3A_31 : vector<16xf32>
        %swap3A = arith.index_cast %add3A_33 : i32 to index
        %swap3A_39 = arith.constant 0 : index
        %swap3A_40 = tpu.vector_load %arg7[%swap3A, %swap3A_39] {strides = array<i32>} : memref<1600x32xf32, #tpu.memory_space<vmem>>, vector<1x16xf32>,
        %swap3A_41 = vector.shape_cast %swap3A_40 : vector<1x16xf32> to vector<16xf32>
        %swap3A_42 = vector.shape_cast %add3A_38 : vector<16xf32> to vector<1x16xf32>
        tpu.vector_store %arg7[%swap3A, %swap3A_39], %swap3A_42 {strides = array<i32>} : memref<1600x32xf32, #tpu.memory_space<vmem>>, vector<1x16xf32>,
        %add3A_43 = arith.constant 200 : i32
        %add3A_44 = arith.addi %add3A_43, %scan3A_28 : i32
        %get3A_45 = arith.index_cast %add3A_44 : i32 to index
        %get3A_46 = arith.constant 0 : index
        %get3A_47 = tpu.vector_load %arg7[%get3A_45, %get3A_46] {strides = array<i32>} : memref<1600x32xf32, #tpu.memory_space<vmem>>, vector<1x16xf32>,
        %get3A_48 = vector.shape_cast %get3A_47 : vector<1x16xf32> to vector<16xf32>
        %add3A_49 = arith.addf %get3A_48, %get3A_31 : vector<16xf32>
        %swap3A_50 = arith.index_cast %add3A_44 : i32 to index
        %swap3A_51 = arith.constant 0 : index
        %swap3A_52 = tpu.vector_load %arg7[%swap3A_50, %swap3A_51] {strides = array<i32>} : memref<1600x32xf32, #tpu.memory_space<vmem>>, vector<1x16xf32>,
        %swap3A_53 = vector.shape_cast %swap3A_52 : vector<1x16xf32> to vector<16xf32>
        %swap3A_54 = vector.shape_cast %add3A_49 : vector<16xf32> to vector<1x16xf32>
        tpu.vector_store %arg7[%swap3A_50, %swap3A_51], %swap3A_54 {strides = array<i32>} : memref<1600x32xf32, #tpu.memory_space<vmem>>, vector<1x16xf32>,
        %add3A_55 = arith.constant 400 : i32
        %add3A_56 = arith.addi %add3A_55, %scan3A_28 : i32
        %get3A_57 = arith.index_cast %add3A_56 : i32 to index
        %get3A_58 = arith.constant 0 : index
        %get3A_59 = tpu.vector_load %arg7[%get3A_57, %get3A_58] {strides = array<i32>} : memref<1600x32xf32, #tpu.memory_space<vmem>>, vector<1x16xf32>,
        %get3A_60 = vector.shape_cast %get3A_59 : vector<1x16xf32> to vector<16xf32>
        %add3A_61 = arith.addf %get3A_60, %get3A_31 : vector<16xf32>
        %swap3A_62 = arith.index_cast %add3A_56 : i32 to index
        %swap3A_63 = arith.constant 0 : index
        %swap3A_64 = tpu.vector_load %arg7[%swap3A_62, %swap3A_63] {strides = array<i32>} : memref<1600x32xf32, #tpu.memory_space<vmem>>, vector<1x16xf32>,
        %swap3A_65 = vector.shape_cast %swap3A_64 : vector<1x16xf32> to vector<16xf32>
        %swap3A_66 = vector.shape_cast %add3A_61 : vector<16xf32> to vector<1x16xf32>
        tpu.vector_store %arg7[%swap3A_62, %swap3A_63], %swap3A_66 {strides = array<i32>} : memref<1600x32xf32, #tpu.memory_space<vmem>>, vector<1x16xf32>,
        %add3A_67 = arith.constant 600 : i32
        %add3A_68 = arith.addi %add3A_67, %scan3A_28 : i32
        %get3A_69 = arith.index_cast %add3A_68 : i32 to index
        %get3A_70 = arith.constant 0 : index
        %get3A_71 = tpu.vector_load %arg7[%get3A_69, %get3A_70] {strides = array<i32>} : memref<1600x32xf32, #tpu.memory_space<vmem>>, vector<1x16xf32>,
        %get3A_72 = vector.shape_cast %get3A_71 : vector<1x16xf32> to vector<16xf32>
        %add3A_73 = arith.addf %get3A_72, %get3A_31 : vector<16xf32>
        %swap3A_74 = arith.index_cast %add3A_68 : i32 to index
        %swap3A_75 = arith.constant 0 : index
        %swap3A_76 = tpu.vector_load %arg7[%swap3A_74, %swap3A_75] {strides = array<i32>} : memref<1600x32xf32, #tpu.memory_space<vmem>>, vector<1x16xf32>,
        %swap3A_77 = vector.shape_cast %swap3A_76 : vector<1x16xf32> to vector<16xf32>
        %swap3A_78 = vector.shape_cast %add3A_73 : vector<16xf32> to vector<1x16xf32>
        tpu.vector_store %arg7[%swap3A_74, %swap3A_75], %swap3A_78 {strides = array<i32>} : memref<1600x32xf32, #tpu.memory_space<vmem>>, vector<1x16xf32>,
        %add3A_79 = arith.constant 800 : i32
        %add3A_80 = arith.addi %add3A_79, %scan3A_28 : i32
        %get3A_81 = arith.index_cast %add3A_80 : i32 to index
        %get3A_82 = arith.constant 0 : index
        %get3A_83 = tpu.vector_load %arg7[%get3A_81, %get3A_82] {strides = array<i32>} : memref<1600x32xf32, #tpu.memory_space<vmem>>, vector<1x16xf32>,
        %get3A_84 = vector.shape_cast %get3A_83 : vector<1x16xf32> to vector<16xf32>
        %add3A_85 = arith.addf %get3A_84, %get3A_31 : vector<16xf32>
        %swap3A_86 = arith.index_cast %add3A_80 : i32 to index
        %swap3A_87 = arith.constant 0 : index
        %swap3A_88 = tpu.vector_load %arg7[%swap3A_86, %swap3A_87] {strides = array<i32>} : memref<1600x32xf32, #tpu.memory_space<vmem>>, vector<1x16xf32>,
        %swap3A_89 = vector.shape_cast %swap3A_88 : vector<1x16xf32> to vector<16xf32>
        %swap3A_90 = vector.shape_cast %add3A_85 : vector<16xf32> to vector<1x16xf32>
        tpu.vector_store %arg7[%swap3A_86, %swap3A_87], %swap3A_90 {strides = array<i32>} : memref<1600x32xf32, #tpu.memory_space<vmem>>, vector<1x16xf32>,
        %add3A_91 = arith.constant 1000 : i32
        %add3A_92 = arith.addi %add3A_91, %scan3A_28 : i32
        %get3A_93 = arith.index_cast %add3A_92 : i32 to index
        %get3A_94 = arith.constant 0 : index
        %get3A_95 = tpu.vector_load %arg7[%get3A_93, %get3A_94] {strides = array<i32>} : memref<1600x32xf32, #tpu.memory_space<vmem>>, vector<1x16xf32>,
        %get3A_96 = vector.shape_cast %get3A_95 : vector<1x16xf32> to vector<16xf32>
        %add3A_97 = arith.addf %get3A_96, %get3A_31 : vector<16xf32>
        %swap3A_98 = arith.index_cast %add3A_92 : i32 to index
        %swap3A_99 = arith.constant 0 : index
        %swap3A_100 = tpu.vector_load %arg7[%swap3A_98, %swap3A_99] {strides = array<i32>} : memref<1600x32xf32, #tpu.memory_space<vmem>>, vector<1x16xf32>,
        %swap3A_101 = vector.shape_cast %swap3A_100 : vector<1x16xf32> to vector<16xf32>
        %swap3A_102 = vector.shape_cast %add3A_97 : vector<16xf32> to vector<1x16xf32>
        tpu.vector_store %arg7[%swap3A_98, %swap3A_99], %swap3A_102 {strides = array<i32>} : memref<1600x32xf32, #tpu.memory_space<vmem>>, vector<1x16xf32>,
        %add3A_103 = arith.constant 1200 : i32
        %add3A_104 = arith.addi %add3A_103, %scan3A_28 : i32
        %get3A_105 = arith.index_cast %add3A_104 : i32 to index
        %get3A_106 = arith.constant 0 : index
        %get3A_107 = tpu.vector_load %arg7[%get3A_105, %get3A_106] {strides = array<i32>} : memref<1600x32xf32, #tpu.memory_space<vmem>>, vector<1x16xf32>,
        %get3A_108 = vector.shape_cast %get3A_107 : vector<1x16xf32> to vector<16xf32>
        %add3A_109 = arith.addf %get3A_108, %get3A_31 : vector<16xf32>
        %swap3A_110 = arith.index_cast %add3A_104 : i32 to index
        %swap3A_111 = arith.constant 0 : index
        %swap3A_112 = tpu.vector_load %arg7[%swap3A_110, %swap3A_111] {strides = array<i32>} : memref<1600x32xf32, #tpu.memory_space<vmem>>, vector<1x16xf32>,
        %swap3A_113 = vector.shape_cast %swap3A_112 : vector<1x16xf32> to vector<16xf32>
        %swap3A_114 = vector.shape_cast %add3A_109 : vector<16xf32> to vector<1x16xf32>
        tpu.vector_store %arg7[%swap3A_110, %swap3A_111], %swap3A_114 {strides = array<i32>} : memref<1600x32xf32, #tpu.memory_space<vmem>>, vector<1x16xf32>,
        %add3A_115 = arith.constant 1400 : i32
        %add3A_116 = arith.addi %add3A_115, %scan3A_28 : i32
        %get3A_117 = arith.index_cast %add3A_116 : i32 to index
        %get3A_118 = arith.constant 0 : index
        %get3A_119 = tpu.vector_load %arg7[%get3A_117, %get3A_118] {strides = array<i32>} : memref<1600x32xf32, #tpu.memory_space<vmem>>, vector<1x16xf32>,
        %get3A_120 = vector.shape_cast %get3A_119 : vector<1x16xf32> to vector<16xf32>
        %add3A_121 = arith.addf %get3A_120, %get3A_31 : vector<16xf32>
        %swap3A_122 = arith.index_cast %add3A_116 : i32 to index
        %swap3A_123 = arith.constant 0 : index
        %swap3A_124 = tpu.vector_load %arg7[%swap3A_122, %swap3A_123] {strides = array<i32>} : memref<1600x32xf32, #tpu.memory_space<vmem>>, vector<1x16xf32>,
        %swap3A_125 = vector.shape_cast %swap3A_124 : vector<1x16xf32> to vector<16xf32>
        %swap3A_126 = vector.shape_cast %add3A_121 : vector<16xf32> to vector<1x16xf32>
        tpu.vector_store %arg7[%swap3A_122, %swap3A_123], %swap3A_126 {strides = array<i32>} : memref<1600x32xf32, #tpu.memory_space<vmem>>, vector<1x16xf32>,
        %get3A_127 = arith.index_cast %scan3A_28 : i32 to index
        %get3A_128 = arith.constant 16 : index
        %get3A_129 = tpu.vector_load %arg8[%get3A_127, %get3A_128] {strides = array<i32>} : memref<200x32xf32, #tpu.memory_space<vmem>>, vector<1x16xf32>,
        %get3A_130 = vector.shape_cast %get3A_129 : vector<1x16xf32> to vector<16xf32>
        %add3A_131 = arith.constant 0 : i32
        %add3A_132 = arith.addi %add3A_131, %scan3A_28 : i32
        %get3A_133 = arith.index_cast %add3A_132 : i32 to index
        %get3A_134 = arith.constant 16 : index
        %get3A_135 = tpu.vector_load %arg7[%get3A_133, %get3A_134] {strides = array<i32>} : memref<1600x32xf32, #tpu.memory_space<vmem>>, vector<1x16xf32>,
        %get3A_136 = vector.shape_cast %get3A_135 : vector<1x16xf32> to vector<16xf32>
        %add3A_137 = arith.addf %get3A_136, %get3A_130 : vector<16xf32>
        %swap3A_138 = arith.index_cast %add3A_132 : i32 to index
        %swap3A_139 = arith.constant 16 : index
        %swap3A_140 = tpu.vector_load %arg7[%swap3A_138, %swap3A_139] {strides = array<i32>} : memref<1600x32xf32, #tpu.memory_space<vmem>>, vector<1x16xf32>,
        %swap3A_141 = vector.shape_cast %swap3A_140 : vector<1x16xf32> to vector<16xf32>
        %swap3A_142 = vector.shape_cast %add3A_137 : vector<16xf32> to vector<1x16xf32>
        tpu.vector_store %arg7[%swap3A_138, %swap3A_139], %swap3A_142 {strides = array<i32>} : memref<1600x32xf32, #tpu.memory_space<vmem>>, vector<1x16xf32>,
        %add3A_143 = arith.constant 200 : i32
        %add3A_144 = arith.addi %add3A_143, %scan3A_28 : i32
        %get3A_145 = arith.index_cast %add3A_144 : i32 to index
        %get3A_146 = arith.constant 16 : index
        %get3A_147 = tpu.vector_load %arg7[%get3A_145, %get3A_146] {strides = array<i32>} : memref<1600x32xf32, #tpu.memory_space<vmem>>, vector<1x16xf32>,
        %get3A_148 = vector.shape_cast %get3A_147 : vector<1x16xf32> to vector<16xf32>
        %add3A_149 = arith.addf %get3A_148, %get3A_130 : vector<16xf32>
        %swap3A_150 = arith.index_cast %add3A_144 : i32 to index
        %swap3A_151 = arith.constant 16 : index
        %swap3A_152 = tpu.vector_load %arg7[%swap3A_150, %swap3A_151] {strides = array<i32>} : memref<1600x32xf32, #tpu.memory_space<vmem>>, vector<1x16xf32>,
        %swap3A_153 = vector.shape_cast %swap3A_152 : vector<1x16xf32> to vector<16xf32>
        %swap3A_154 = vector.shape_cast %add3A_149 : vector<16xf32> to vector<1x16xf32>
        tpu.vector_store %arg7[%swap3A_150, %swap3A_151], %swap3A_154 {strides = array<i32>} : memref<1600x32xf32, #tpu.memory_space<vmem>>, vector<1x16xf32>,
        %add3A_155 = arith.constant 400 : i32
        %add3A_156 = arith.addi %add3A_155, %scan3A_28 : i32
        %get3A_157 = arith.index_cast %add3A_156 : i32 to index
        %get3A_158 = arith.constant 16 : index
        %get3A_159 = tpu.vector_load %arg7[%get3A_157, %get3A_158] {strides = array<i32>} : memref<1600x32xf32, #tpu.memory_space<vmem>>, vector<1x16xf32>,
        %get3A_160 = vector.shape_cast %get3A_159 : vector<1x16xf32> to vector<16xf32>
        %add3A_161 = arith.addf %get3A_160, %get3A_130 : vector<16xf32>
        %swap3A_162 = arith.index_cast %add3A_156 : i32 to index
        %swap3A_163 = arith.constant 16 : index
        %swap3A_164 = tpu.vector_load %arg7[%swap3A_162, %swap3A_163] {strides = array<i32>} : memref<1600x32xf32, #tpu.memory_space<vmem>>, vector<1x16xf32>,
        %swap3A_165 = vector.shape_cast %swap3A_164 : vector<1x16xf32> to vector<16xf32>
        %swap3A_166 = vector.shape_cast %add3A_161 : vector<16xf32> to vector<1x16xf32>
        tpu.vector_store %arg7[%swap3A_162, %swap3A_163], %swap3A_166 {strides = array<i32>} : memref<1600x32xf32, #tpu.memory_space<vmem>>, vector<1x16xf32>,
        %add3A_167 = arith.constant 600 : i32
        %add3A_168 = arith.addi %add3A_167, %scan3A_28 : i32
        %get3A_169 = arith.index_cast %add3A_168 : i32 to index
        %get3A_170 = arith.constant 16 : index
        %get3A_171 = tpu.vector_load %arg7[%get3A_169, %get3A_170] {strides = array<i32>} : memref<1600x32xf32, #tpu.memory_space<vmem>>, vector<1x16xf32>,
        %get3A_172 = vector.shape_cast %get3A_171 : vector<1x16xf32> to vector<16xf32>
        %add3A_173 = arith.addf %get3A_172, %get3A_130 : vector<16xf32>
        %swap3A_174 = arith.index_cast %add3A_168 : i32 to index
        %swap3A_175 = arith.constant 16 : index
        %swap3A_176 = tpu.vector_load %arg7[%swap3A_174, %swap3A_175] {strides = array<i32>} : memref<1600x32xf32, #tpu.memory_space<vmem>>, vector<1x16xf32>,
        %swap3A_177 = vector.shape_cast %swap3A_176 : vector<1x16xf32> to vector<16xf32>
        %swap3A_178 = vector.shape_cast %add3A_173 : vector<16xf32> to vector<1x16xf32>
        tpu.vector_store %arg7[%swap3A_174, %swap3A_175], %swap3A_178 {strides = array<i32>} : memref<1600x32xf32, #tpu.memory_space<vmem>>, vector<1x16xf32>,
        %add3A_179 = arith.constant 800 : i32
        %add3A_180 = arith.addi %add3A_179, %scan3A_28 : i32
        %get3A_181 = arith.index_cast %add3A_180 : i32 to index
        %get3A_182 = arith.constant 16 : index
        %get3A_183 = tpu.vector_load %arg7[%get3A_181, %get3A_182] {strides = array<i32>} : memref<1600x32xf32, #tpu.memory_space<vmem>>, vector<1x16xf32>,
        %get3A_184 = vector.shape_cast %get3A_183 : vector<1x16xf32> to vector<16xf32>
        %add3A_185 = arith.addf %get3A_184, %get3A_130 : vector<16xf32>
        %swap3A_186 = arith.index_cast %add3A_180 : i32 to index
        %swap3A_187 = arith.constant 16 : index
        %swap3A_188 = tpu.vector_load %arg7[%swap3A_186, %swap3A_187] {strides = array<i32>} : memref<1600x32xf32, #tpu.memory_space<vmem>>, vector<1x16xf32>,
        %swap3A_189 = vector.shape_cast %swap3A_188 : vector<1x16xf32> to vector<16xf32>
        %swap3A_190 = vector.shape_cast %add3A_185 : vector<16xf32> to vector<1x16xf32>
        tpu.vector_store %arg7[%swap3A_186, %swap3A_187], %swap3A_190 {strides = array<i32>} : memref<1600x32xf32, #tpu.memory_space<vmem>>, vector<1x16xf32>,
        %add3A_191 = arith.constant 1000 : i32
        %add3A_192 = arith.addi %add3A_191, %scan3A_28 : i32
        %get3A_193 = arith.index_cast %add3A_192 : i32 to index
        %get3A_194 = arith.constant 16 : index
        %get3A_195 = tpu.vector_load %arg7[%get3A_193, %get3A_194] {strides = array<i32>} : memref<1600x32xf32, #tpu.memory_space<vmem>>, vector<1x16xf32>,
        %get3A_196 = vector.shape_cast %get3A_195 : vector<1x16xf32> to vector<16xf32>
        %add3A_197 = arith.addf %get3A_196, %get3A_130 : vector<16xf32>
        %swap3A_198 = arith.index_cast %add3A_192 : i32 to index
        %swap3A_199 = arith.constant 16 : index
        %swap3A_200 = tpu.vector_load %arg7[%swap3A_198, %swap3A_199] {strides = array<i32>} : memref<1600x32xf32, #tpu.memory_space<vmem>>, vector<1x16xf32>,
        %swap3A_201 = vector.shape_cast %swap3A_200 : vector<1x16xf32> to vector<16xf32>
        %swap3A_202 = vector.shape_cast %add3A_197 : vector<16xf32> to vector<1x16xf32>
        tpu.vector_store %arg7[%swap3A_198, %swap3A_199], %swap3A_202 {strides = array<i32>} : memref<1600x32xf32, #tpu.memory_space<vmem>>, vector<1x16xf32>,
        %add3A_203 = arith.constant 1200 : i32
        %add3A_204 = arith.addi %add3A_203, %scan3A_28 : i32
        %get3A_205 = arith.index_cast %add3A_204 : i32 to index
        %get3A_206 = arith.constant 16 : index
        %get3A_207 = tpu.vector_load %arg7[%get3A_205, %get3A_206] {strides = array<i32>} : memref<1600x32xf32, #tpu.memory_space<vmem>>, vector<1x16xf32>,
        %get3A_208 = vector.shape_cast %get3A_207 : vector<1x16xf32> to vector<16xf32>
        %add3A_209 = arith.addf %get3A_208, %get3A_130 : vector<16xf32>
        %swap3A_210 = arith.index_cast %add3A_204 : i32 to index
        %swap3A_211 = arith.constant 16 : index
        %swap3A_212 = tpu.vector_load %arg7[%swap3A_210, %swap3A_211] {strides = array<i32>} : memref<1600x32xf32, #tpu.memory_space<vmem>>, vector<1x16xf32>,
        %swap3A_213 = vector.shape_cast %swap3A_212 : vector<1x16xf32> to vector<16xf32>
        %swap3A_214 = vector.shape_cast %add3A_209 : vector<16xf32> to vector<1x16xf32>
        tpu.vector_store %arg7[%swap3A_210, %swap3A_211], %swap3A_214 {strides = array<i32>} : memref<1600x32xf32, #tpu.memory_space<vmem>>, vector<1x16xf32>,
        %add3A_215 = arith.constant 1400 : i32
        %add3A_216 = arith.addi %add3A_215, %scan3A_28 : i32
        %get3A_217 = arith.index_cast %add3A_216 : i32 to index
        %get3A_218 = arith.constant 16 : index
        %get3A_219 = tpu.vector_load %arg7[%get3A_217, %get3A_218] {strides = array<i32>} : memref<1600x32xf32, #tpu.memory_space<vmem>>, vector<1x16xf32>,
        %get3A_220 = vector.shape_cast %get3A_219 : vector<1x16xf32> to vector<16xf32>
        %add3A_221 = arith.addf %get3A_220, %get3A_130 : vector<16xf32>
        %swap3A_222 = arith.index_cast %add3A_216 : i32 to index
        %swap3A_223 = arith.constant 16 : index
        %swap3A_224 = tpu.vector_load %arg7[%swap3A_222, %swap3A_223] {strides = array<i32>} : memref<1600x32xf32, #tpu.memory_space<vmem>>, vector<1x16xf32>,
        %swap3A_225 = vector.shape_cast %swap3A_224 : vector<1x16xf32> to vector<16xf32>
        %swap3A_226 = vector.shape_cast %add3A_221 : vector<16xf32> to vector<1x16xf32>
        tpu.vector_store %arg7[%swap3A_222, %swap3A_223], %swap3A_226 {strides = array<i32>} : memref<1600x32xf32, #tpu.memory_space<vmem>>, vector<1x16xf32>,
        %scan3A_227 = arith.constant 1 : i32
        %scan3A_228 = arith.addi %scan3A_28, %scan3A_227 : i32
        %get3A_229 = arith.index_cast %scan3A_228 : i32 to index
        %get3A_230 = arith.constant 0 : index
        %get3A_231 = tpu.vector_load %arg8[%get3A_229, %get3A_230] {strides = array<i32>} : memref<200x32xf32, #tpu.memory_space<vmem>>, vector<1x16xf32>,
        %get3A_232 = vector.shape_cast %get3A_231 : vector<1x16xf32> to vector<16xf32>
        %add3A_233 = arith.constant 0 : i32
        %add3A_234 = arith.addi %add3A_233, %scan3A_228 : i32
        %get3A_235 = arith.index_cast %add3A_234 : i32 to index
        %get3A_236 = arith.constant 0 : index
        %get3A_237 = tpu.vector_load %arg7[%get3A_235, %get3A_236] {strides = array<i32>} : memref<1600x32xf32, #tpu.memory_space<vmem>>, vector<1x16xf32>,
        %get3A_238 = vector.shape_cast %get3A_237 : vector<1x16xf32> to vector<16xf32>
        %add3A_239 = arith.addf %get3A_238, %get3A_232 : vector<16xf32>
        %swap3A_240 = arith.index_cast %add3A_234 : i32 to index
        %swap3A_241 = arith.constant 0 : index
        %swap3A_242 = tpu.vector_load %arg7[%swap3A_240, %swap3A_241] {strides = array<i32>} : memref<1600x32xf32, #tpu.memory_space<vmem>>, vector<1x16xf32>,
        %swap3A_243 = vector.shape_cast %swap3A_242 : vector<1x16xf32> to vector<16xf32>
        %swap3A_244 = vector.shape_cast %add3A_239 : vector<16xf32> to vector<1x16xf32>
        tpu.vector_store %arg7[%swap3A_240, %swap3A_241], %swap3A_244 {strides = array<i32>} : memref<1600x32xf32, #tpu.memory_space<vmem>>, vector<1x16xf32>,
        %add3A_245 = arith.constant 200 : i32
        %add3A_246 = arith.addi %add3A_245, %scan3A_228 : i32
        %get3A_247 = arith.index_cast %add3A_246 : i32 to index
        %get3A_248 = arith.constant 0 : index
        %get3A_249 = tpu.vector_load %arg7[%get3A_247, %get3A_248] {strides = array<i32>} : memref<1600x32xf32, #tpu.memory_space<vmem>>, vector<1x16xf32>,
        %get3A_250 = vector.shape_cast %get3A_249 : vector<1x16xf32> to vector<16xf32>
        %add3A_251 = arith.addf %get3A_250, %get3A_232 : vector<16xf32>
        %swap3A_252 = arith.index_cast %add3A_246 : i32 to index
        %swap3A_253 = arith.constant 0 : index
        %swap3A_254 = tpu.vector_load %arg7[%swap3A_252, %swap3A_253] {strides = array<i32>} : memref<1600x32xf32, #tpu.memory_space<vmem>>, vector<1x16xf32>,
        %swap3A_255 = vector.shape_cast %swap3A_254 : vector<1x16xf32> to vector<16xf32>
        %swap3A_256 = vector.shape_cast %add3A_251 : vector<16xf32> to vector<1x16xf32>
        tpu.vector_store %arg7[%swap3A_252, %swap3A_253], %swap3A_256 {strides = array<i32>} : memref<1600x32xf32, #tpu.memory_space<vmem>>, vector<1x16xf32>,
        %add3A_257 = arith.constant 400 : i32
        %add3A_258 = arith.addi %add3A_257, %scan3A_228 : i32
        %get3A_259 = arith.index_cast %add3A_258 : i32 to index
        %get3A_260 = arith.constant 0 : index
        %get3A_261 = tpu.vector_load %arg7[%get3A_259, %get3A_260] {strides = array<i32>} : memref<1600x32xf32, #tpu.memory_space<vmem>>, vector<1x16xf32>,
        %get3A_262 = vector.shape_cast %get3A_261 : vector<1x16xf32> to vector<16xf32>
        %add3A_263 = arith.addf %get3A_262, %get3A_232 : vector<16xf32>
        %swap3A_264 = arith.index_cast %add3A_258 : i32 to index
        %swap3A_265 = arith.constant 0 : index
        %swap3A_266 = tpu.vector_load %arg7[%swap3A_264, %swap3A_265] {strides = array<i32>} : memref<1600x32xf32, #tpu.memory_space<vmem>>, vector<1x16xf32>,
        %swap3A_267 = vector.shape_cast %swap3A_266 : vector<1x16xf32> to vector<16xf32>
        %swap3A_268 = vector.shape_cast %add3A_263 : vector<16xf32> to vector<1x16xf32>
        tpu.vector_store %arg7[%swap3A_264, %swap3A_265], %swap3A_268 {strides = array<i32>} : memref<1600x32xf32, #tpu.memory_space<vmem>>, vector<1x16xf32>,
        %add3A_269 = arith.constant 600 : i32
        %add3A_270 = arith.addi %add3A_269, %scan3A_228 : i32
        %get3A_271 = arith.index_cast %add3A_270 : i32 to index
        %get3A_272 = arith.constant 0 : index
        %get3A_273 = tpu.vector_load %arg7[%get3A_271, %get3A_272] {strides = array<i32>} : memref<1600x32xf32, #tpu.memory_space<vmem>>, vector<1x16xf32>,
        %get3A_274 = vector.shape_cast %get3A_273 : vector<1x16xf32> to vector<16xf32>
        %add3A_275 = arith.addf %get3A_274, %get3A_232 : vector<16xf32>
        %swap3A_276 = arith.index_cast %add3A_270 : i32 to index
        %swap3A_277 = arith.constant 0 : index
        %swap3A_278 = tpu.vector_load %arg7[%swap3A_276, %swap3A_277] {strides = array<i32>} : memref<1600x32xf32, #tpu.memory_space<vmem>>, vector<1x16xf32>,
        %swap3A_279 = vector.shape_cast %swap3A_278 : vector<1x16xf32> to vector<16xf32>
        %swap3A_280 = vector.shape_cast %add3A_275 : vector<16xf32> to vector<1x16xf32>
        tpu.vector_store %arg7[%swap3A_276, %swap3A_277], %swap3A_280 {strides = array<i32>} : memref<1600x32xf32, #tpu.memory_space<vmem>>, vector<1x16xf32>,
        %add3A_281 = arith.constant 800 : i32
        %add3A_282 = arith.addi %add3A_281, %scan3A_228 : i32
        %get3A_283 = arith.index_cast %add3A_282 : i32 to index
        %get3A_284 = arith.constant 0 : index
        %get3A_285 = tpu.vector_load %arg7[%get3A_283, %get3A_284] {strides = array<i32>} : memref<1600x32xf32, #tpu.memory_space<vmem>>, vector<1x16xf32>,
        %get3A_286 = vector.shape_cast %get3A_285 : vector<1x16xf32> to vector<16xf32>
        %add3A_287 = arith.addf %get3A_286, %get3A_232 : vector<16xf32>
        %swap3A_288 = arith.index_cast %add3A_282 : i32 to index
        %swap3A_289 = arith.constant 0 : index
        %swap3A_290 = tpu.vector_load %arg7[%swap3A_288, %swap3A_289] {strides = array<i32>} : memref<1600x32xf32, #tpu.memory_space<vmem>>, vector<1x16xf32>,
        %swap3A_291 = vector.shape_cast %swap3A_290 : vector<1x16xf32> to vector<16xf32>
        %swap3A_292 = vector.shape_cast %add3A_287 : vector<16xf32> to vector<1x16xf32>
        tpu.vector_store %arg7[%swap3A_288, %swap3A_289], %swap3A_292 {strides = array<i32>} : memref<1600x32xf32, #tpu.memory_space<vmem>>, vector<1x16xf32>,
        %add3A_293 = arith.constant 1000 : i32
        %add3A_294 = arith.addi %add3A_293, %scan3A_228 : i32
        %get3A_295 = arith.index_cast %add3A_294 : i32 to index
        %get3A_296 = arith.constant 0 : index
        %get3A_297 = tpu.vector_load %arg7[%get3A_295, %get3A_296] {strides = array<i32>} : memref<1600x32xf32, #tpu.memory_space<vmem>>, vector<1x16xf32>,
        %get3A_298 = vector.shape_cast %get3A_297 : vector<1x16xf32> to vector<16xf32>
        %add3A_299 = arith.addf %get3A_298, %get3A_232 : vector<16xf32>
        %swap3A_300 = arith.index_cast %add3A_294 : i32 to index
        %swap3A_301 = arith.constant 0 : index
        %swap3A_302 = tpu.vector_load %arg7[%swap3A_300, %swap3A_301] {strides = array<i32>} : memref<1600x32xf32, #tpu.memory_space<vmem>>, vector<1x16xf32>,
        %swap3A_303 = vector.shape_cast %swap3A_302 : vector<1x16xf32> to vector<16xf32>
        %swap3A_304 = vector.shape_cast %add3A_299 : vector<16xf32> to vector<1x16xf32>
        tpu.vector_store %arg7[%swap3A_300, %swap3A_301], %swap3A_304 {strides = array<i32>} : memref<1600x32xf32, #tpu.memory_space<vmem>>, vector<1x16xf32>,
        %add3A_305 = arith.constant 1200 : i32
        %add3A_306 = arith.addi %add3A_305, %scan3A_228 : i32
        %get3A_307 = arith.index_cast %add3A_306 : i32 to index
        %get3A_308 = arith.constant 0 : index
        %get3A_309 = tpu.vector_load %arg7[%get3A_307, %get3A_308] {strides = array<i32>} : memref<1600x32xf32, #tpu.memory_space<vmem>>, vector<1x16xf32>,
        %get3A_310 = vector.shape_cast %get3A_309 : vector<1x16xf32> to vector<16xf32>
        %add3A_311 = arith.addf %get3A_310, %get3A_232 : vector<16xf32>
        %swap3A_312 = arith.index_cast %add3A_306 : i32 to index
        %swap3A_313 = arith.constant 0 : index
        %swap3A_314 = tpu.vector_load %arg7[%swap3A_312, %swap3A_313] {strides = array<i32>} : memref<1600x32xf32, #tpu.memory_space<vmem>>, vector<1x16xf32>,
        %swap3A_315 = vector.shape_cast %swap3A_314 : vector<1x16xf32> to vector<16xf32>
        %swap3A_316 = vector.shape_cast %add3A_311 : vector<16xf32> to vector<1x16xf32>
        tpu.vector_store %arg7[%swap3A_312, %swap3A_313], %swap3A_316 {strides = array<i32>} : memref<1600x32xf32, #tpu.memory_space<vmem>>, vector<1x16xf32>,
        %add3A_317 = arith.constant 1400 : i32
        %add3A_318 = arith.addi %add3A_317, %scan3A_228 : i32
        %get3A_319 = arith.index_cast %add3A_318 : i32 to index
        %get3A_320 = arith.constant 0 : index
        %get3A_321 = tpu.vector_load %arg7[%get3A_319, %get3A_320] {strides = array<i32>} : memref<1600x32xf32, #tpu.memory_space<vmem>>, vector<1x16xf32>,
        %get3A_322 = vector.shape_cast %get3A_321 : vector<1x16xf32> to vector<16xf32>
        %add3A_323 = arith.addf %get3A_322, %get3A_232 : vector<16xf32>
        %swap3A_324 = arith.index_cast %add3A_318 : i32 to index
        %swap3A_325 = arith.constant 0 : index
        %swap3A_326 = tpu.vector_load %arg7[%swap3A_324, %swap3A_325] {strides = array<i32>} : memref<1600x32xf32, #tpu.memory_space<vmem>>, vector<1x16xf32>,
        %swap3A_327 = vector.shape_cast %swap3A_326 : vector<1x16xf32> to vector<16xf32>
        %swap3A_328 = vector.shape_cast %add3A_323 : vector<16xf32> to vector<1x16xf32>
        tpu.vector_store %arg7[%swap3A_324, %swap3A_325], %swap3A_328 {strides = array<i32>} : memref<1600x32xf32, #tpu.memory_space<vmem>>, vector<1x16xf32>,
        %get3A_329 = arith.index_cast %scan3A_228 : i32 to index
        %get3A_330 = arith.constant 16 : index
        %get3A_331 = tpu.vector_load %arg8[%get3A_329, %get3A_330] {strides = array<i32>} : memref<200x32xf32, #tpu.memory_space<vmem>>, vector<1x16xf32>,
        %get3A_332 = vector.shape_cast %get3A_331 : vector<1x16xf32> to vector<16xf32>
        %add3A_333 = arith.constant 0 : i32
        %add3A_334 = arith.addi %add3A_333, %scan3A_228 : i32
        %get3A_335 = arith.index_cast %add3A_334 : i32 to index
        %get3A_336 = arith.constant 16 : index
        %get3A_337 = tpu.vector_load %arg7[%get3A_335, %get3A_336] {strides = array<i32>} : memref<1600x32xf32, #tpu.memory_space<vmem>>, vector<1x16xf32>,
        %get3A_338 = vector.shape_cast %get3A_337 : vector<1x16xf32> to vector<16xf32>
        %add3A_339 = arith.addf %get3A_338, %get3A_332 : vector<16xf32>
        %swap3A_340 = arith.index_cast %add3A_334 : i32 to index
        %swap3A_341 = arith.constant 16 : index
        %swap3A_342 = tpu.vector_load %arg7[%swap3A_340, %swap3A_341] {strides = array<i32>} : memref<1600x32xf32, #tpu.memory_space<vmem>>, vector<1x16xf32>,
        %swap3A_343 = vector.shape_cast %swap3A_342 : vector<1x16xf32> to vector<16xf32>
        %swap3A_344 = vector.shape_cast %add3A_339 : vector<16xf32> to vector<1x16xf32>
        tpu.vector_store %arg7[%swap3A_340, %swap3A_341], %swap3A_344 {strides = array<i32>} : memref<1600x32xf32, #tpu.memory_space<vmem>>, vector<1x16xf32>,
        %add3A_345 = arith.constant 200 : i32
        %add3A_346 = arith.addi %add3A_345, %scan3A_228 : i32
        %get3A_347 = arith.index_cast %add3A_346 : i32 to index
        %get3A_348 = arith.constant 16 : index
        %get3A_349 = tpu.vector_load %arg7[%get3A_347, %get3A_348] {strides = array<i32>} : memref<1600x32xf32, #tpu.memory_space<vmem>>, vector<1x16xf32>,
        %get3A_350 = vector.shape_cast %get3A_349 : vector<1x16xf32> to vector<16xf32>
        %add3A_351 = arith.addf %get3A_350, %get3A_332 : vector<16xf32>
        %swap3A_352 = arith.index_cast %add3A_346 : i32 to index
        %swap3A_353 = arith.constant 16 : index
        %swap3A_354 = tpu.vector_load %arg7[%swap3A_352, %swap3A_353] {strides = array<i32>} : memref<1600x32xf32, #tpu.memory_space<vmem>>, vector<1x16xf32>,
        %swap3A_355 = vector.shape_cast %swap3A_354 : vector<1x16xf32> to vector<16xf32>
        %swap3A_356 = vector.shape_cast %add3A_351 : vector<16xf32> to vector<1x16xf32>
        tpu.vector_store %arg7[%swap3A_352, %swap3A_353], %swap3A_356 {strides = array<i32>} : memref<1600x32xf32, #tpu.memory_space<vmem>>, vector<1x16xf32>,
        %add3A_357 = arith.constant 400 : i32
        %add3A_358 = arith.addi %add3A_357, %scan3A_228 : i32
        %get3A_359 = arith.index_cast %add3A_358 : i32 to index
        %get3A_360 = arith.constant 16 : index
        %get3A_361 = tpu.vector_load %arg7[%get3A_359, %get3A_360] {strides = array<i32>} : memref<1600x32xf32, #tpu.memory_space<vmem>>, vector<1x16xf32>,
        %get3A_362 = vector.shape_cast %get3A_361 : vector<1x16xf32> to vector<16xf32>
        %add3A_363 = arith.addf %get3A_362, %get3A_332 : vector<16xf32>
        %swap3A_364 = arith.index_cast %add3A_358 : i32 to index
        %swap3A_365 = arith.constant 16 : index
        %swap3A_366 = tpu.vector_load %arg7[%swap3A_364, %swap3A_365] {strides = array<i32>} : memref<1600x32xf32, #tpu.memory_space<vmem>>, vector<1x16xf32>,
        %swap3A_367 = vector.shape_cast %swap3A_366 : vector<1x16xf32> to vector<16xf32>
        %swap3A_368 = vector.shape_cast %add3A_363 : vector<16xf32> to vector<1x16xf32>
        tpu.vector_store %arg7[%swap3A_364, %swap3A_365], %swap3A_368 {strides = array<i32>} : memref<1600x32xf32, #tpu.memory_space<vmem>>, vector<1x16xf32>,
        %add3A_369 = arith.constant 600 : i32
        %add3A_370 = arith.addi %add3A_369, %scan3A_228 : i32
        %get3A_371 = arith.index_cast %add3A_370 : i32 to index
        %get3A_372 = arith.constant 16 : index
        %get3A_373 = tpu.vector_load %arg7[%get3A_371, %get3A_372] {strides = array<i32>} : memref<1600x32xf32, #tpu.memory_space<vmem>>, vector<1x16xf32>,
        %get3A_374 = vector.shape_cast %get3A_373 : vector<1x16xf32> to vector<16xf32>
        %add3A_375 = arith.addf %get3A_374, %get3A_332 : vector<16xf32>
        %swap3A_376 = arith.index_cast %add3A_370 : i32 to index
        %swap3A_377 = arith.constant 16 : index
        %swap3A_378 = tpu.vector_load %arg7[%swap3A_376, %swap3A_377] {strides = array<i32>} : memref<1600x32xf32, #tpu.memory_space<vmem>>, vector<1x16xf32>,
        %swap3A_379 = vector.shape_cast %swap3A_378 : vector<1x16xf32> to vector<16xf32>
        %swap3A_380 = vector.shape_cast %add3A_375 : vector<16xf32> to vector<1x16xf32>
        tpu.vector_store %arg7[%swap3A_376, %swap3A_377], %swap3A_380 {strides = array<i32>} : memref<1600x32xf32, #tpu.memory_space<vmem>>, vector<1x16xf32>,
        %add3A_381 = arith.constant 800 : i32
        %add3A_382 = arith.addi %add3A_381, %scan3A_228 : i32
        %get3A_383 = arith.index_cast %add3A_382 : i32 to index
        %get3A_384 = arith.constant 16 : index
        %get3A_385 = tpu.vector_load %arg7[%get3A_383, %get3A_384] {strides = array<i32>} : memref<1600x32xf32, #tpu.memory_space<vmem>>, vector<1x16xf32>,
        %get3A_386 = vector.shape_cast %get3A_385 : vector<1x16xf32> to vector<16xf32>
        %add3A_387 = arith.addf %get3A_386, %get3A_332 : vector<16xf32>
        %swap3A_388 = arith.index_cast %add3A_382 : i32 to index
        %swap3A_389 = arith.constant 16 : index
        %swap3A_390 = tpu.vector_load %arg7[%swap3A_388, %swap3A_389] {strides = array<i32>} : memref<1600x32xf32, #tpu.memory_space<vmem>>, vector<1x16xf32>,
        %swap3A_391 = vector.shape_cast %swap3A_390 : vector<1x16xf32> to vector<16xf32>
        %swap3A_392 = vector.shape_cast %add3A_387 : vector<16xf32> to vector<1x16xf32>
        tpu.vector_store %arg7[%swap3A_388, %swap3A_389], %swap3A_392 {strides = array<i32>} : memref<1600x32xf32, #tpu.memory_space<vmem>>, vector<1x16xf32>,
        %add3A_393 = arith.constant 1000 : i32
        %add3A_394 = arith.addi %add3A_393, %scan3A_228 : i32
        %get3A_395 = arith.index_cast %add3A_394 : i32 to index
        %get3A_396 = arith.constant 16 : index
        %get3A_397 = tpu.vector_load %arg7[%get3A_395, %get3A_396] {strides = array<i32>} : memref<1600x32xf32, #tpu.memory_space<vmem>>, vector<1x16xf32>,
        %get3A_398 = vector.shape_cast %get3A_397 : vector<1x16xf32> to vector<16xf32>
        %add3A_399 = arith.addf %get3A_398, %get3A_332 : vector<16xf32>
        %swap3A_400 = arith.index_cast %add3A_394 : i32 to index
        %swap3A_401 = arith.constant 16 : index
        %swap3A_402 = tpu.vector_load %arg7[%swap3A_400, %swap3A_401] {strides = array<i32>} : memref<1600x32xf32, #tpu.memory_space<vmem>>, vector<1x16xf32>,
        %swap3A_403 = vector.shape_cast %swap3A_402 : vector<1x16xf32> to vector<16xf32>
        %swap3A_404 = vector.shape_cast %add3A_399 : vector<16xf32> to vector<1x16xf32>
        tpu.vector_store %arg7[%swap3A_400, %swap3A_401], %swap3A_404 {strides = array<i32>} : memref<1600x32xf32, #tpu.memory_space<vmem>>, vector<1x16xf32>,
        %add3A_405 = arith.constant 1200 : i32
        %add3A_406 = arith.addi %add3A_405, %scan3A_228 : i32
        %get3A_407 = arith.index_cast %add3A_406 : i32 to index
        %get3A_408 = arith.constant 16 : index
        %get3A_409 = tpu.vector_load %arg7[%get3A_407, %get3A_408] {strides = array<i32>} : memref<1600x32xf32, #tpu.memory_space<vmem>>, vector<1x16xf32>,
        %get3A_410 = vector.shape_cast %get3A_409 : vector<1x16xf32> to vector<16xf32>
        %add3A_411 = arith.addf %get3A_410, %get3A_332 : vector<16xf32>
        %swap3A_412 = arith.index_cast %add3A_406 : i32 to index
        %swap3A_413 = arith.constant 16 : index
        %swap3A_414 = tpu.vector_load %arg7[%swap3A_412, %swap3A_413] {strides = array<i32>} : memref<1600x32xf32, #tpu.memory_space<vmem>>, vector<1x16xf32>,
        %swap3A_415 = vector.shape_cast %swap3A_414 : vector<1x16xf32> to vector<16xf32>
        %swap3A_416 = vector.shape_cast %add3A_411 : vector<16xf32> to vector<1x16xf32>
        tpu.vector_store %arg7[%swap3A_412, %swap3A_413], %swap3A_416 {strides = array<i32>} : memref<1600x32xf32, #tpu.memory_space<vmem>>, vector<1x16xf32>,
        %add3A_417 = arith.constant 1400 : i32
        %add3A_418 = arith.addi %add3A_417, %scan3A_228 : i32
        %get3A_419 = arith.index_cast %add3A_418 : i32 to index
        %get3A_420 = arith.constant 16 : index
        %get3A_421 = tpu.vector_load %arg7[%get3A_419, %get3A_420] {strides = array<i32>} : memref<1600x32xf32, #tpu.memory_space<vmem>>, vector<1x16xf32>,
        %get3A_422 = vector.shape_cast %get3A_421 : vector<1x16xf32> to vector<16xf32>
        %add3A_423 = arith.addf %get3A_422, %get3A_332 : vector<16xf32>
        %swap3A_424 = arith.index_cast %add3A_418 : i32 to index
        %swap3A_425 = arith.constant 16 : index
        %swap3A_426 = tpu.vector_load %arg7[%swap3A_424, %swap3A_425] {strides = array<i32>} : memref<1600x32xf32, #tpu.memory_space<vmem>>, vector<1x16xf32>,
        %swap3A_427 = vector.shape_cast %swap3A_426 : vector<1x16xf32> to vector<16xf32>
        %swap3A_428 = vector.shape_cast %add3A_423 : vector<16xf32> to vector<1x16xf32>
        tpu.vector_store %arg7[%swap3A_424, %swap3A_425], %swap3A_428 {strides = array<i32>} : memref<1600x32xf32, #tpu.memory_space<vmem>>, vector<1x16xf32>,
      }
      %scan3A_27 = arith.constant 200 : i32
      "tpu.region"() ({
        %run_scoped3A = tpu.sem_alloc : memref<!tpu.dma_semaphore, #tpu.memory_space<semaphore_mem>>
        %dma_start3A_28 = arith.constant 0 : i32
        %dma_start3A_29 = tpu.memref_slice %arg5[%add3A_11, %dma_start3A_28] : memref<819200x128xf32, #tpu.memory_space<hbm>> -> memref<1600x32xf32, #tpu.memory_space<hbm>>
        %dma_start3A_30 = arith.constant 0 : i32
        %dma_start3A_31 = tpu.memref_slice %arg5[%add3A_11, %dma_start3A_30] : memref<819200x128xf32, #tpu.memory_space<hbm>> -> memref<1600x32xf32, #tpu.memory_space<hbm>>
        tpu.enqueue_dma source(%arg7 : memref<1600x32xf32, #tpu.memory_space<vmem>>) target(%dma_start3A_31 : memref<1600x32xf32, #tpu.memory_space<hbm>>) target_semaphore(%run_scoped3A : memref<!tpu.dma_semaphore, #tpu.memory_space<semaphore_mem>>)
        %dma_wait3A_32 = arith.constant 0 : i32
        %dma_wait3A_33 = tpu.memref_slice %arg5[%add3A_11, %dma_wait3A_32] : memref<819200x128xf32, #tpu.memory_space<hbm>> -> memref<1600x32xf32, #tpu.memory_space<hbm>>
        %dma_wait3A_34 = arith.constant 0 : i32
        %dma_wait3A_35 = tpu.memref_slice %arg5[%add3A_11, %dma_wait3A_34] : memref<819200x128xf32, #tpu.memory_space<hbm>> -> memref<1600x32xf32, #tpu.memory_space<hbm>>
        tpu.wait_dma2 semaphore(%run_scoped3A : memref<!tpu.dma_semaphore, #tpu.memory_space<semaphore_mem>>) src(%arg7 : memref<1600x32xf32, #tpu.memory_space<vmem>>) dst(%dma_wait3A_35 : memref<1600x32xf32, #tpu.memory_space<hbm>>)
        tpu.yield
      }) : () -> ()
    }
    %scan3A_7 = arith.constant 16 : i32
    return
  }
}

module attributes {stable_mosaic.version = 14 : i64} {
  func.func @body(%arg0: i32, %arg1: memref<32x16384xf32, #tpu.memory_space<vmem>>, %arg2: memref<4096x128xf32, #tpu.memory_space<vmem>>) attributes {dimension_semantics = [#tpu.dimension_semantics<arbitrary>], iteration_bounds = array<i64: 62>, scalar_prefetch = 0 : i64, scratch_operands = 0 : i64, tpu.core_type = #tpu.core_type<tc>, window_params = [{transform_indices = @transform_0, window_bounds = array<i64: 32, 16384>}, {transform_indices = @transform_1, window_bounds = array<i64: 4096, 128>}]} {
    %get3A = arith.constant 0 : index
    %get3A_0 = arith.constant 0 : index
    %get3A_1 = vector.load %arg1[%get3A, %get3A_0] : memref<32x16384xf32, #tpu.memory_space<vmem>>, vector<32x16384xf32>
    %transpose3A = tpu.transpose %get3A_1, [1, 0] : vector<32x16384xf32> -> vector<16384x32xf32>
    %slice3A = vector.extract_strided_slice %transpose3A {offsets = [0, 0], sizes = [4096, 32], strides = [1, 1]} : vector<16384x32xf32> to vector<4096x32xf32>
    %slice3A_2 = vector.extract_strided_slice %transpose3A {offsets = [4096, 0], sizes = [4096, 32], strides = [1, 1]} : vector<16384x32xf32> to vector<4096x32xf32>
    %slice3A_3 = vector.extract_strided_slice %transpose3A {offsets = [8192, 0], sizes = [4096, 32], strides = [1, 1]} : vector<16384x32xf32> to vector<4096x32xf32>
    %slice3A_4 = vector.extract_strided_slice %transpose3A {offsets = [12288, 0], sizes = [4096, 32], strides = [1, 1]} : vector<16384x32xf32> to vector<4096x32xf32>
    %concatenate3A = tpu.concatenate %slice3A, %slice3A_2, %slice3A_3, %slice3A_4 in 1 : vector<4096x32xf32>, vector<4096x32xf32>, vector<4096x32xf32>, vector<4096x32xf32> -> vector<4096x128xf32>
    %swap3A = arith.constant 0 : index
    %swap3A_5 = arith.constant 0 : index
    %swap3A_6 = vector.load %arg2[%swap3A, %swap3A_5] : memref<4096x128xf32, #tpu.memory_space<vmem>>, vector<4096x128xf32>
    tpu.vector_store %arg2[%swap3A, %swap3A_5], %concatenate3A {strides = array<i32>} : memref<4096x128xf32, #tpu.memory_space<vmem>>, vector<4096x128xf32>,
    return
  }
  func.func @transform_0(%arg0: i32) -> (i32, i32) {
    %c0_i32 = arith.constant 0 : i32
    %c0_i32_0 = arith.constant 0 : i32
    return %c0_i32, %arg0 : i32, i32
  }
  func.func @transform_1(%arg0: i32) -> (i32, i32) {
    %c0_i32 = arith.constant 0 : i32
    %c0_i32_0 = arith.constant 0 : i32
    return %arg0, %c0_i32 : i32, i32
  }
}

</mosaic_0001>

<sc_bundles>
// kernel: kernel.4.cloned.1.call-start
scs
__scs_entry_jumppad:
0x0: {  	(pc) =	sbr.rel $0x88, $3  }
0x1: {  	(tag) =	ssettag $0x0;
	lr =	simm.s32 $0x1  }
0x2: {  	[smem:$0x3F9E] =	sst lr;
	_ =	strace $0xD0000000  }
0x3: {  	_ = 	snop  }
0x4: {  	_ = 	snop  }
0x5: {  	_ = 	snop  }
0x6: {  	_ = 	snop  }
0x7: {  	_ = 	snop  }
__scs_overlays_trampoline_lowered:
0x8: {  	[smem:$0x3FAD] =	sst s0  }
0x9: {  	[smem:$0x3FAE] =	sst s1  }
0xa: {  	[smem:$0x3FAF] =	sst s2  }
0xb: {  	[smem:$0x3FB0] =	sst s3  }
0xc: {  	[smem:$0x3FB1] =	sst s4  }
0xd: {  	[smem:$0x3FB2] =	sst s5  }
0xe: {  	[smem:$0x3FB3] =	sst s6  }
0xf: {  	[smem:$0x3FB4] =	sst s7  }
0x10: {  	[smem:$0x3FB5] =	sst s8  }
0x11: {  	[smem:$0x3FB6] =	sst s9;
	s0 =	simm.s32 @!p0 $0x0  }
0x12: {  	s1 =	sld [smem:$0x3F9C];
	s0 =	simm.s32 @p0 $0x1  }
0x13: {  	[smem:$0x3FB7] =	sst s0;
	s0 =	simm.s32 @!p1 $0x0  }
0x14: {  	s2 =	sld [smem:$0x3F9B];
	s0 =	simm.s32 @p1 $0x1  }
0x15: {  	[smem:$0x3FB8] =	sst s0;
	s0 =	simm.s32 @!p2 $0x0  }
0x16: {  	s3 =	sld [smem:$0x3FDB];
	s0 =	simm.s32 @p2 $0x1  }
0x17: {  	s4 =	simm.s32 $0x1BF5;
	[smem:$0x3FBA] =	sst s0  }
0x18: {  	s0 =	sld [smem:$0x3F9D];
	_ =	swait.ge [sflag:s4], $0x0  }
0x19: {  	s7 =	sld [smem:$0x3F9E]  }
0x1a: {  	s8 =	sadd.s32 $0xFFFFE003, lr  }
0x1b: {  	s9 =	sadd.s32 $0xFFFFFEF7, lr;
	s5 =	simm.s32 $0xFFFFFFFF;
	p2 =	slt.u32 s8, $0xFFFFF086  }
0x1c: {  	p1 =	slt.u32 s9, $0xF7A;
	s5 =	simm.s32 @!p2 $0x0  }
0x1d: {  	s5 =	simm.s32 @p1 $0x1;
	p0 =	seq.s32 s7, s2  }
0x1e: {  	s7 =	smul.u32 @!p0 $0xF7A, s2;
	p2 =	seq.s32 @!p0 s5, $0x0  }
0x1f: {  	s9 =	smul.u32 $0xF7A, s1;
	s8 =	simm.s32 @!p0 $0x1BF5;
	p2 =	por !p2, p0  }
0x20: {  	[sflag:s8] =	ssyncset.s32 @!p0 $0xFFFFF086;
	s6 =	sadd.s32 @!p0 s3, s7;
	s7 =	simm.s32 @!p0 $0x108  }
0x21: {  	s3 =	sadd.s32 s3, s9;
	s6 =	sadd.s32 @!p0 $0x88, s6;
	s7 =	simm.s32 @p2 $0x1082  }
0x22: {  	[simem:s7], [sflag:s8] =	dma.local @!p0 [hbm:s6], $0xF7A  }
0x23: {  	s9 =	sor.u32 $0xD0000000, s2;
	s6 =	simm.s32 $0x108;
	_ =	swait.ge @!p0 [sflag:s8], $0x0  }
0x24: {  	s3 =	sadd.s32 $0x88, s3;
	s6 =	simm.s32 @!p1 $0x1082;
	[sflag:s4] =	ssyncset.s32 $0xFFFFF086  }
0x25: {  	[simem:s6], [sflag:s4] =	dma.local [hbm:s3], $0xF7A  }
0x26: {  	[smem:$0x3F9E] =	sst s1;
	(tag) =	ssettag s2;
	_ =	strace s9  }
0x27: {  	s1 =	sld [smem:$0x3FAE]  }
0x28: {  	s2 =	sld [smem:$0x3FAF]  }
0x29: {  	s4 =	sld [smem:$0x3FB1]  }
0x2a: {  	p0 =	seq.s32 s5, $0x0;
	s5 =	sld [smem:$0x3FB2]  }
0x2b: {  	s6 =	sld [smem:$0x3FB3]  }
0x2c: {  	s7 =	sld [smem:$0x3FB4]  }
0x2d: {  	s3 =	simm.s32 $0x108;
	s8 =	sld [smem:$0x3FB5]  }
0x2e: {  	s3 =	simm.s32 @!p0 $0x1082;
	s9 =	sld [smem:$0x3FB6]  }
0x2f: {  	lr =	sadd.s32 s0, s3;
	s0 =	sld [smem:$0x3FAD]  }
0x30: {  	s3 =	sld [smem:$0x3FB0]  }
0x31: {  	[smem:$0x3FB9] =	sst s10  }
0x32: {  	s10 =	sld [smem:$0x3FB7];
	_ =	sdelay $0x3  }
0x33: {  	p0 =	seq.s32 s10, $0x1;
	s10 =	sld [smem:$0x3FB9];
	_ =	sdelay $0x3  }
0x34: {  	[smem:$0x3FB9] =	sst s10  }
0x35: {  	s10 =	sld [smem:$0x3FB8];
	_ =	sdelay $0x3  }
0x36: {  	p1 =	seq.s32 s10, $0x1;
	s10 =	sld [smem:$0x3FB9];
	_ =	sdelay $0x3  }
0x37: {  	[smem:$0x3FB9] =	sst s10  }
0x38: {  	s10 =	sld [smem:$0x3FBA]  }
0x39: {  	_ = 	snop;
	(pc) =	sbr.ind lr, $3  }
0x3a: {  	_ = 	snop  }
0x3b: {  	_ = 	snop  }
0x3c: {  	p2 =	seq.s32 s10, $0x1;
	s10 =	sld [smem:$0x3FB9]  }
0x3d: {  	_ =	shalt  }
0x3e: {  	_ =	shalt  }
0x3f: {  	_ =	shalt  }
0x40: {  	_ =	shalt  }
0x41: {  	_ =	shalt  }
0x42: {  	_ =	shalt  }
0x43: {  	_ =	shalt  }
0x44: {  	_ =	shalt  }
0x45: {  	_ =	shalt  }
0x46: {  	_ =	shalt  }
0x47: {  	_ =	shalt  }
0x48: {  	_ =	shalt  }
0x49: {  	_ =	shalt  }
0x4a: {  	_ =	shalt  }
0x4b: {  	_ =	shalt  }
0x4c: {  	_ =	shalt  }
0x4d: {  	_ =	shalt  }
0x4e: {  	_ =	shalt  }
0x4f: {  	_ =	shalt  }
0x50: {  	_ =	shalt  }
0x51: {  	_ =	shalt  }
0x52: {  	_ =	shalt  }
0x53: {  	_ =	shalt  }
0x54: {  	_ =	shalt  }
0x55: {  	_ =	shalt  }
0x56: {  	_ =	shalt  }
0x57: {  	_ =	shalt  }
0x58: {  	_ =	shalt  }
0x59: {  	_ =	shalt  }
0x5a: {  	_ =	shalt  }
0x5b: {  	_ =	shalt  }
0x5c: {  	_ =	shalt  }
0x5d: {  	_ =	shalt  }
0x5e: {  	_ =	shalt  }
0x5f: {  	_ =	shalt  }
0x60: {  	_ =	shalt  }
0x61: {  	_ =	shalt  }
0x62: {  	_ =	shalt  }
0x63: {  	_ =	shalt  }
0x64: {  	_ =	shalt  }
0x65: {  	_ =	shalt  }
0x66: {  	_ =	shalt  }
0x67: {  	_ =	shalt  }
0x68: {  	_ =	shalt  }
0x69: {  	_ =	shalt  }
0x6a: {  	_ =	shalt  }
0x6b: {  	_ =	shalt  }
0x6c: {  	_ =	shalt  }
0x6d: {  	_ =	shalt  }
0x6e: {  	_ =	shalt  }
0x6f: {  	_ =	shalt  }
0x70: {  	_ =	shalt  }
0x71: {  	_ =	shalt  }
0x72: {  	_ =	shalt  }
0x73: {  	_ =	shalt  }
0x74: {  	_ =	shalt  }
0x75: {  	_ =	shalt  }
0x76: {  	_ =	shalt  }
0x77: {  	_ =	shalt  }
0x78: {  	_ =	shalt  }
0x79: {  	_ =	shalt  }
0x7a: {  	_ =	shalt  }
0x7b: {  	_ =	shalt  }
0x7c: {  	_ =	shalt  }
0x7d: {  	_ =	shalt  }
0x7e: {  	_ =	shalt  }
0x7f: {  	_ =	shalt  }
0x80: {  	_ =	shalt  }
0x81: {  	_ =	shalt  }
0x82: {  	_ =	shalt  }
0x83: {  	_ =	shalt  }
0x84: {  	_ =	shalt  }
0x85: {  	_ =	shalt  }
0x86: {  	_ =	shalt  }
0x87: {  	_ =	shalt  }
.Lfunc_end0:
.L_simem_size_0:
called_computation.1_lowered:
.L_overlay_start_0:
0x88: {  	s2 =	sld [smem:$0x3FD9]  }
0x89: {  	s3 =	sld [smem:$0x3FFE];
	_ =	sdelay $0x1  }
0x8a: {  	s1 =	srdreg.scid  }
0x8b: {  	s0 =	sand.u32 $0x1, s1  }
0x8c: {  	s17 =	sshll.u32 s0, $0xA;
	s2 =	sadd.s32 s3, s2  }
0x8d: {  	s2 =	sadd.s32 s2, s17  }
0x8e: {  	[smem:$0x3FC5] =	sst s2  }
0x8f: {  	_ = 	snop  }
0x90: {  	s2 =	sld [smem:$0x3FD0];
	(tm) =	ssettm $0x1  }
0x91: {  	s18 =	sld [smem:$0x3FFB];
	_ =	sdelay $0x3  }
0x92: {  	_ =	strace s18  }
0x93: {  	s3 =	sld [smem:$0x3FFC];
	_ =	sdelay $0x3  }
0x94: {  	_ =	strace s3  }
0x95: {  	s3 =	sld [smem:$0x3FFD];
	_ =	sdelay $0x3  }
0x96: {  	_ =	strace s3  }
0x97: {  	_ =	strace $0x8FFFFFFF  }
0x98: {  	s19 =	sld [smem:$0x3FDB];
	_ =	sdelay $0x1  }
0x99: {  	s4 =	simm.s32 $_scs_section_size  }
0x9a: {  	s5 =	simm.s32 $_size__tile_overlayer_lowered;
	s6 =	simm.s32 $_tile_overlayer_lowered  }
0x9b: {  	s22 =	simm.s32 $0x1BFF;
	s21 =	sshll.u32 s6, $0x1;
	s3 =	sadd.s32 s4, s19  }
0x9c: {  	s7 =	simm.s32 $0x0;
	s20 =	sshll.u32 s5, $0x1;
	s5 =	sadd.s32 s21, s3  }
0x9d: {  	[timem:s7], [sflag:s22] =	dma.local [hbm:s5], s20  }
0x9e: {  	_ =	swait.ge [sflag:s22], s20  }
0x9f: {  	s4 =	ssub.s32 $0x0, s20;
	[sflag:s22] =	ssyncset.done $0x0  }
0xa0: {  	[sflag:s22] =	ssyncadd.s32 s4;
	_ =	sdelay $0x1  }
0xa1: {  	s23 =	simm.s32 $0x1B8B  }
0xa2: {  	_ =	swait.ge [sflag:s23], $0x1  }
0xa3: {  	[sflag:s23] =	ssyncset.done $0x0  }
0xa4: {  	s25 =	simm.s32 $0x1B8E;
	s24 =	sld [smem:$0x3FFE];
	[sflag:s23] =	ssyncadd.s32 $0xFFFFFFFF  }
0xa5: {  	s26 =	simm.s32 $execute0_lowered;
	[smem:$0x3FD2] =	sst s25  }
0xa6: {  	s5 =	sshll.u32 s26, $0x1;
	_ =	strace $0x80000046;
	[dreg:$0x1] =	wrdreg $0xFFFFFFFF  }
0xa7: {  	s28 =	simm.s32 $_size_execute0_lowered;
	s3 =	sadd.s32 s3, s5;
	[dreg:$0x0] =	wrdreg $0x0  }
0xa8: {  	s5 =	sshll.u32 s28, $0x1;
	[dreg:$0x2] =	wrdreg s3  }
0xa9: {  	[dreg:$0x3] =	wrdreg s5  }
0xaa: {  	[dreg:$0x4] =	wrdreg $0xC0  }
0xab: {  	_ =	task [dreg:s7], $0x5FFFF  }
0xac: {  	[dreg:$0x1] =	wrdreg $0xFFFFFFFF  }
0xad: {  	[dreg:$0x0] =	wrdreg $0x60  }
0xae: {  	[dreg:$0x2] =	wrdreg s2  }
0xaf: {  	[dreg:$0x3] =	wrdreg s24  }
0xb0: {  	[dreg:$0x4] =	wrdreg $0x9  }
0xb1: {  	_ =	task.clear_ibuf [dreg:s7], $0x5FFFF;
	_ =	strace $0x90000046  }
0xb2: {  	s29 =	simm.s32 $0x9;
	_ =	strace $0x80000048  }
0xb3: {  	_ =	swait.ge [sflag:s29], $0x1  }
0xb4: {  	[sflag:s29] =	ssyncadd.s32 $0xFFFFFFFF  }
0xb5: {  	_ =	strace $0x90000048  }
0xb6: {  	_ =	sfence  }
0xb7: {  	s30 =	sld [smem:$0x0];
	_ =	sdelay $0x2  }
0xb8: {  	s31 =	sshll.u32 s1, $0xD;
	s1 =	sshrl.u32 s1, $0x2  }
0xb9: {  	s3 =	sand.u32 $0x4000, s31;
	s1 =	sadd.s32 s1, s30  }
0xba: {  	s0 =	sor.u32 s3, s0;
	s1 =	sshll.u32 s1, $0x11  }
0xbb: {  	s0 =	sor.u32 s1, s0  }
0xbc: {  	s0 =	sadd.s32 $0x8F2B, s0  }
0xbd: {  	[sflag:s0] =	ssyncadd.remote.s32 $0x1  }
0xbe: {  	_ =	sfence.sel $0xFFFF  }
0xbf: {  	[dreg:$0x0] =	wrdreg $0xFFFFFFFF;
	(pc) =	sbr.abs _section_cstart, $3  }
0xc0: {  	[dreg:$0x1] =	wrdreg $0xFFFFFFFF  }
0xc1: {  	_ =	task.clear_ibuf [dreg:s7], $0x2FFFF;
	_ =	strace $0x9FFFFFFF  }
0xc2: {  	(tm) =	ssettm $0x7FFFFFFF  }
0xc3: {  	_ =	shalt  }
tec
execute0_lowered:
.L_overlay_start_1:
0x0: {  	(tag) =	ssettag $0x1  }
0x1: {  	s1 =	rddreg [dreg:$0x0]  }
0x2: {  	s6 =	rddreg [dreg:$0x1]  }
0x3: {  	s0 =	rddreg [dreg:$0x2];
	s2 =	simm.s32 $0x0;
	s3 =	srdreg.scid  }
0x4: {  	s11 =	simm.s32 $0x640;
	s12 =	simm.s32 $0x1;
	s13 =	simm.s32 $0x20  }
0x5: {  	s14 =	simm.s32 $0x80;
	s15 =	simm.s32 $0x0;
	[smem:$0x7FF] =	sst s2  }
0x6: {  	s7 =	sand.u32 $0x1, s3;
	s4 =	sadd.s32 $0xC00, s6;
	s3 =	stileid.u32  }
0x7: {  	s5 =	sadd.s32 $0x800, s6;
	s6 =	sadd.s32 $0x3E0C00, s6;
	s8 =	ssub.s32 $0x2, s7  }
0x8: {  	_ =	strace $0x80000047;
	s10 =	sshll.u32 s3, $0x1;
	s9 =	sshrl.u32 s8, $0x1  }
0x9: {  	s7 =	sor.u32 s7, s10;
	s10 =	simm.s32 $0x2;
	s8 =	ssub.s32 s8, s9  }
0xa: {  	s7 =	smul.u32 $0x6400, s7;
	s9 =	simm.s32 $0xCE40;
	s8 =	smax.u32 s8, $0x1  }
.LBB2_1:
0xb: {  	[tilespmem:s9], [sflag:$0x2] =	stream.linear.gather [hbm4b:s5+s2], $0x1900, $0x38;
	[tilespmem:$0xE740] =	vst v63  }
0xc: {  	_ =	swait.ge [sflag:s10], $0x1900  }
0xd: {  	[sflag:s10] =	ssyncset.done $0x0  }
0xe: {  	s16 =	simm.s32 $0x0;
	[sflag:s10] =	ssyncadd.s32 $0xFFFFE700  }
.LBB2_2:
0xf: {  	s17 =	smul.u32 $0x640, s16;
	_ =	sdelay $0x1  }
0x10: {  	s17 =	sadd.s32 s7, s17  }
0x11: {  	s18 =	sshrl.u32 s17, $0x3  }
0x12: {  	s19 =	simm.s32 $0x0;
	s18 =	sadd.s32 s1, s18  }
0x13: {  	[tilespmem:s19], [sflag:$0x2] =	stream.linear.gather [hbm4b:s18+s19], $0x640, $0x38;
	[tilespmem:$0xE740] =	vst v63  }
0x14: {  	_ =	swait.ge [sflag:s10], $0x640  }
0x15: {  	[sflag:s10] =	ssyncset.done $0x0  }
0x16: {  	s18 =	simm.s32 $0x0;
	[sflag:s10] =	ssyncadd.s32 $0xFFFFF9C0  }
0x17: {  	v0 =	vld [tilespmem:s18+$0x0]  }
0x18: {  	v1 =	vld [tilespmem:s18+$0x10]  }
0x19: {  	v6 =	vld [tilespmem:s18+$0x30];
	_ =	sdelay $0x2  }
0x1a: {  	v2 =	vld [tilespmem:s18+$0x20];
	v3 =	vand.u32 $0xFFFFC000, v0  }
0x1b: {  	v4 =	vshll.u32 v0, $0x2;
	v0 =	vshrl.u32 v0, $0xC;
	v5 =	vshll.u32 v1, $0x2  }
0x1c: {  	v7 =	vand.u32 $0xFFFFC000, v1;
	v1 =	vshrl.u32 v1, $0xC;
	v8 =	vand.u32 $0xFFFFC000, v6  }
0x1d: {  	v4 =	vand.u32 $0x3FFC, v4;
	v0 =	vand.u32 $0x3, v0;
	v5 =	vand.u32 $0x3FFC, v5  }
0x1e: {  	v3 =	vor.u32 v3, v4;
	v4 =	vor.u32 v7, v5;
	v5 =	vand.u32 $0x3, v1;
	v7 =	vld [tilespmem:s18+$0x50]  }
0x1f: {  	v1 =	vor.u32 v0, v3;
	v0 =	vor.u32 v5, v4;
	v3 =	vshll.u32 v2, $0x2  }
0x20: {  	v4 =	vld [tilespmem:s18+$0x40];
	v5 =	vand.u32 $0xFFFFC000, v2;
	v2 =	vshrl.u32 v2, $0xC;
	v3 =	vand.u32 $0x3FFC, v3  }
0x21: {  	v2 =	vand.u32 $0x3, v2;
	v3 =	vor.u32 v5, v3;
	v5 =	vshll.u32 v6, $0x2  }
0x22: {  	v6 =	vshrl.u32 v6, $0xC;
	v5 =	vand.u32 $0x3FFC, v5;
	v2 =	vor.u32 v2, v3  }
0x23: {  	v3 =	vor.u32 v8, v5;
	v5 =	vand.u32 $0x3, v6;
	v9 =	vshll.u32 v7, $0x2  }
0x24: {  	v10 =	vld [tilespmem:s18+$0x60];
	v11 =	vand.u32 $0xFFFFC000, v7;
	v7 =	vshrl.u32 v7, $0xC;
	v9 =	vand.u32 $0x3FFC, v9  }
0x25: {  	v8 =	vshll.u32 v4, $0x2;
	v9 =	vor.u32 v11, v9;
	v11 =	vand.u32 $0x3, v7;
	v7 =	vld [tilespmem:s18+$0x70]  }
0x26: {  	v6 =	vand.u32 $0xFFFFC000, v4;
	v4 =	vshrl.u32 v4, $0xC;
	v8 =	vand.u32 $0x3FFC, v8  }
0x27: {  	v4 =	vand.u32 $0x3, v4;
	v8 =	vor.u32 v6, v8  }
0x28: {  	v6 =	vor.u32 v5, v3;
	v3 =	vor.u32 v11, v9;
	v5 =	vor.u32 v4, v8;
	v4 =	vld [tilespmem:s18+$0x80]  }
0x29: {  	s19 =	simm.s32 $0x280;
	v9 =	vshll.u32 v10, $0x2;
	v8 =	vand.u32 $0xFFFFC000, v10;
	v10 =	vshrl.u32 v10, $0xC  }
.LBB2_3:
0x2a: {  	p0 =	sne.s32 s19, $0x1680;
	[tilespmem:s18+$0x0] =	vst v1;
	v1 =	vand.u32 $0x3FFC, v9;
	v9 =	vand.u32 $0x3, v10;
	v10 =	vshll.u32 v7, $0x2;
	v11 =	vld [tilespmem:s18+$0x90]  }
0x2b: {  	[tilespmem:s18+$0x10] =	vst v0;
	v0 =	vand.u32 $0xFFFFC000, v7;
	v10 =	vand.u32 $0x3FFC, v10;
	v7 =	vshrl.u32 v7, $0xC  }
0x2c: {  	v1 =	vor.u32 v8, v1;
	[tilespmem:s18+$0x20] =	vst v2;
	v0 =	vor.u32 v0, v10;
	v2 =	vand.u32 $0x3, v7  }
0x2d: {  	s20 =	sshra.s32 s19, $0x2;
	v1 =	vor.u32 v9, v1;
	[tilespmem:s18+$0x30] =	vst v6;
	v0 =	vor.u32 v2, v0;
	v2 =	vshll.u32 v4, $0x2  }
0x2e: {  	v6 =	vld [tilespmem:s20+$0x0];
	[tilespmem:s18+$0x40] =	vst v5;
	v5 =	vand.u32 $0xFFFFC000, v4;
	v2 =	vand.u32 $0x3FFC, v2;
	v4 =	vshrl.u32 v4, $0xC  }
0x2f: {  	v7 =	vld [tilespmem:s20+$0x10];
	[tilespmem:s18+$0x50] =	vst v3;
	v2 =	vor.u32 v5, v2;
	v3 =	vand.u32 $0x3, v4;
	v4 =	vshll.u32 v11, $0x2  }
0x30: {  	v5 =	vshrl.u32 v11, $0xC;
	[tilespmem:s18+$0x60] =	vst v1;
	v1 =	vand.u32 $0xFFFFC000, v11;
	v4 =	vand.u32 $0x3FFC, v4  }
0x31: {  	[tilespmem:s18+$0x70] =	vst v0;
	v0 =	vor.u32 v3, v2;
	v1 =	vor.u32 v1, v4;
	v2 =	vand.u32 $0x3, v5  }
0x32: {  	v3 =	vld [tilespmem:s20+$0x20];
	[tilespmem:s18+$0x80] =	vst v0;
	v0 =	vor.u32 v2, v1  }
0x33: {  	v1 =	vand.u32 $0xFFFFC000, v6;
	v2 =	vshll.u32 v6, $0x2;
	v4 =	vshrl.u32 v6, $0xC;
	[tilespmem:s18+$0x90] =	vst v0;
	s18 =	smov.u32 s20  }
0x34: {  	v0 =	vand.u32 $0x3FFC, v2;
	v2 =	vand.u32 $0x3, v4;
	v4 =	vshll.u32 v7, $0x2;
	v5 =	vld [tilespmem:s18+$0x30]  }
0x35: {  	v6 =	vand.u32 $0xFFFFC000, v7;
	v7 =	vshrl.u32 v7, $0xC;
	v4 =	vand.u32 $0x3FFC, v4  }
0x36: {  	v0 =	vor.u32 v1, v0;
	v4 =	vor.u32 v6, v4;
	v6 =	vand.u32 $0x3, v7  }
0x37: {  	v1 =	vor.u32 v2, v0;
	v0 =	vor.u32 v6, v4;
	v2 =	vshll.u32 v3, $0x2;
	v4 =	vld [tilespmem:s18+$0x40]  }
0x38: {  	v6 =	vand.u32 $0xFFFFC000, v3;
	v3 =	vshrl.u32 v3, $0xC;
	v2 =	vand.u32 $0x3FFC, v2;
	v8 =	vld [tilespmem:s18+$0x50]  }
0x39: {  	v3 =	vand.u32 $0x3, v3;
	v2 =	vor.u32 v6, v2;
	v6 =	vshll.u32 v5, $0x2  }
0x3a: {  	v7 =	vand.u32 $0xFFFFC000, v5;
	v5 =	vshrl.u32 v5, $0xC;
	v6 =	vand.u32 $0x3FFC, v6  }
0x3b: {  	v2 =	vor.u32 v3, v2;
	v5 =	vand.u32 $0x3, v5;
	v3 =	vor.u32 v7, v6  }
0x3c: {  	v6 =	vand.u32 $0xFFFFC000, v4;
	v7 =	vshll.u32 v4, $0x2;
	v4 =	vshrl.u32 v4, $0xC;
	v10 =	vld [tilespmem:s18+$0x60]  }
.Ltmp0:
0x3d: {  	v9 =	vand.u32 $0x3FFC, v7;
	v4 =	vand.u32 $0x3, v4;
	v11 =	vshll.u32 v8, $0x2;
	v7 =	vld [tilespmem:s18+$0x70];
	(pc) =	sbr.rel @p0 .LBB2_3-.Ltmp0, $4  }
0x3e: {  	v12 =	vand.u32 $0xFFFFC000, v8;
	v8 =	vshrl.u32 v8, $0xC;
	v11 =	vand.u32 $0x3FFC, v11  }
0x3f: {  	v9 =	vor.u32 v6, v9;
	v8 =	vand.u32 $0x3, v8;
	v11 =	vor.u32 v12, v11  }
0x40: {  	v6 =	vor.u32 v5, v3;
	v5 =	vor.u32 v4, v9;
	v3 =	vor.u32 v8, v11;
	v4 =	vld [tilespmem:s18+$0x80]  }
0x41: {  	s19 =	sadd.s32 $0x280, s19;
	v8 =	vand.u32 $0xFFFFC000, v10;
	v9 =	vshll.u32 v10, $0x2;
	v10 =	vshrl.u32 v10, $0xC  }
0x42: {  	[tilespmem:s18+$0x0] =	vst v1;
	v1 =	vand.u32 $0x3FFC, v9;
	v9 =	vand.u32 $0x3, v10;
	v10 =	vshll.u32 v7, $0x2;
	v11 =	vld [tilespmem:s18+$0x90]  }
0x43: {  	[tilespmem:s18+$0x10] =	vst v0;
	v0 =	vand.u32 $0xFFFFC000, v7;
	v7 =	vshrl.u32 v7, $0xC;
	v10 =	vand.u32 $0x3FFC, v10  }
0x44: {  	[tilespmem:s18+$0x20] =	vst v2;
	v1 =	vor.u32 v8, v1;
	v2 =	vand.u32 $0x3, v7;
	v0 =	vor.u32 v0, v10  }
0x45: {  	[tilespmem:s18+$0x30] =	vst v6;
	v1 =	vor.u32 v9, v1;
	v0 =	vor.u32 v2, v0;
	v2 =	vshll.u32 v4, $0x2  }
0x46: {  	[tilespmem:s18+$0x40] =	vst v5;
	v5 =	vand.u32 $0xFFFFC000, v4;
	v4 =	vshrl.u32 v4, $0xC;
	v2 =	vand.u32 $0x3FFC, v2  }
0x47: {  	[tilespmem:s18+$0x50] =	vst v3;
	v3 =	vand.u32 $0x3, v4;
	v2 =	vor.u32 v5, v2;
	v4 =	vshll.u32 v11, $0x2  }
0x48: {  	[tilespmem:s18+$0x60] =	vst v1;
	v1 =	vand.u32 $0xFFFFC000, v11;
	v5 =	vshrl.u32 v11, $0xC;
	v4 =	vand.u32 $0x3FFC, v4  }
0x49: {  	[tilespmem:s18+$0x70] =	vst v0;
	v0 =	vor.u32 v3, v2;
	v2 =	vand.u32 $0x3, v5;
	v1 =	vor.u32 v1, v4  }
0x4a: {  	[tilespmem:s18+$0x80] =	vst v0;
	v0 =	vor.u32 v2, v1  }
0x4b: {  	s31 =	simm.s32 $0x0;
	[tilespmem:s18+$0x90] =	vst v0  }
0x4c: {  	[tilespmem:s11], [sflag:$0x1] =	stream.indirect.gather [hbm4b:s4+s11], $0x20, s31, s11, $0xb8;
	[tilespmem:$0xE740] =	vst v63  }
0x4d: {  	_ =	swait.ge [sflag:s12], $0xC800  }
0x4e: {  	[sflag:s12] =	ssyncset.done $0x0  }
0x4f: {  	s18 =	simm.s32 $0x0;
	[sflag:s12] =	ssyncadd.s32 $0xFFFF3800  }
0x50: {  	v2 =	vld [tilespmem:s18+$0x6A40]  }
0x51: {  	v0 =	vld [tilespmem:s18+$0xCE40]  }
0x52: {  	v3 =	vld [tilespmem:s18+$0xB570]  }
0x53: {  	v1 =	vld [tilespmem:s18+$0x6A70]  }
0x54: {  	v8 =	vld [tilespmem:s18+$0x9C70]  }
0x55: {  	v9 =	vld [tilespmem:s18+$0x1F70]  }
0x56: {  	v10 =	vld [tilespmem:s18+$0x8370]  }
0x57: {  	v4 =	vld [tilespmem:s18+$0x9C40]  }
0x58: {  	v5 =	vld [tilespmem:s18+$0xB540]  }
0x59: {  	v6 =	vld [tilespmem:s18+$0xCE50];
	v2 =	vadd.f32 v2, v0  }
0x5a: {  	v7 =	vld [tilespmem:s18+$0x650]  }
0x5b: {  	[tilespmem:s18+$0x6A40] =	vst v2;
	v2 =	vld [tilespmem:s18+$0x1F50]  }
0x5c: {  	v11 =	vld [tilespmem:s18+$0x3850];
	v4 =	vadd.f32 v4, v0  }
0x5d: {  	v12 =	vld [tilespmem:s18+$0x5150];
	v5 =	vadd.f32 v5, v0  }
0x5e: {  	[tilespmem:s18+$0x9C40] =	vst v4;
	v4 =	vld [tilespmem:s18+$0x6A50]  }
0x5f: {  	[tilespmem:s18+$0xB540] =	vst v5;
	v5 =	vadd.f32 v7, v6;
	v7 =	vld [tilespmem:s18+$0x8350]  }
0x60: {  	v13 =	vld [tilespmem:s18+$0x9C50];
	v2 =	vadd.f32 v2, v6  }
0x61: {  	v11 =	vadd.f32 v11, v6;
	[tilespmem:s18+$0x650] =	vst v5;
	v5 =	vld [tilespmem:s18+$0xB550]  }
0x62: {  	v14 =	vld [tilespmem:s18+$0xCE60];
	[tilespmem:s18+$0x1F50] =	vst v2;
	v2 =	vadd.f32 v12, v6  }
0x63: {  	[tilespmem:s18+$0x3850] =	vst v11;
	v11 =	vld [tilespmem:s18+$0x660];
	v4 =	vadd.f32 v4, v6  }
0x64: {  	v7 =	vadd.f32 v7, v6;
	[tilespmem:s18+$0x5150] =	vst v2;
	v2 =	vld [tilespmem:s18+$0x1F60]  }
0x65: {  	[tilespmem:s18+$0x6A50] =	vst v4;
	v4 =	vld [tilespmem:s18+$0x3860]  }
0x66: {  	[tilespmem:s18+$0x8350] =	vst v7;
	v7 =	vld [tilespmem:s18+$0x5160];
	v5 =	vadd.f32 v5, v6  }
0x67: {  	v12 =	vadd.f32 v13, v6;
	v6 =	vld [tilespmem:s18+$0x6A60]  }
0x68: {  	[tilespmem:s18+$0xB550] =	vst v5;
	v5 =	vadd.f32 v11, v14;
	v11 =	vld [tilespmem:s18+$0x8360]  }
0x69: {  	[tilespmem:s18+$0x9C50] =	vst v12;
	v12 =	vld [tilespmem:s18+$0x9C60];
	v2 =	vadd.f32 v2, v14  }
0x6a: {  	[tilespmem:s18+$0x660] =	vst v5;
	v5 =	vld [tilespmem:s18+$0xB560];
	v4 =	vadd.f32 v4, v14  }
0x6b: {  	v7 =	vadd.f32 v7, v14;
	[tilespmem:s18+$0x1F60] =	vst v2;
	v2 =	vld [tilespmem:s18+$0xCE70]  }
0x6c: {  	v13 =	vld [tilespmem:s18+$0x670];
	[tilespmem:s18+$0x3860] =	vst v4;
	v4 =	vadd.f32 v6, v14  }
0x6d: {  	v15 =	vld [tilespmem:s18+$0x3870];
	[tilespmem:s18+$0x5160] =	vst v7;
	v6 =	vadd.f32 v11, v14  }
0x6e: {  	v11 =	vadd.f32 v12, v14;
	[tilespmem:s18+$0x6A60] =	vst v4;
	v4 =	vld [tilespmem:s18+$0x5170]  }
0x6f: {  	v7 =	vld [tilespmem:s18+$0x640];
	[tilespmem:s18+$0x8360] =	vst v6;
	v12 =	vadd.f32 v5, v14  }
0x70: {  	v6 =	vld [tilespmem:s18+$0x1F40];
	[tilespmem:s18+$0x9C60] =	vst v11;
	v9 =	vadd.f32 v9, v2;
	v11 =	vadd.f32 v3, v2  }
0x71: {  	v5 =	vld [tilespmem:s18+$0x3840];
	[tilespmem:s18+$0xB560] =	vst v12;
	v3 =	vadd.f32 v13, v2;
	v12 =	vadd.f32 v8, v2  }
0x72: {  	s19 =	simm.s32 $0x0;
	s20 =	simm.s32 $0x100;
	v8 =	vld [tilespmem:s18+$0x5140];
	v10 =	vadd.f32 v10, v2;
	[tilespmem:s18+$0x1F70] =	vst v9;
	v9 =	vadd.f32 v15, v2  }
.LBB2_5:
0x73: {  	s21 =	sshra.s32 s20, $0x2;
	s19 =	sadd.s32 $0x2, s19;
	v13 =	vld [tilespmem:s18+$0x8340];
	v4 =	vadd.f32 v4, v2;
	v1 =	vadd.f32 v1, v2;
	[tilespmem:s18+$0xB570] =	vst v11  }
0x74: {  	v2 =	vld [tilespmem:s21+$0x6A40];
	p0 =	slt.u32 s19, $0xC6;
	v7 =	vadd.f32 v7, v0;
	[tilespmem:s18+$0x9C70] =	vst v12  }
0x75: {  	v11 =	vld [tilespmem:s21+$0xCE40];
	v6 =	vadd.f32 v6, v0;
	[tilespmem:s18+$0x6A70] =	vst v1  }
0x76: {  	v12 =	vld [tilespmem:s21+$0xB570];
	[tilespmem:s18+$0x640] =	vst v7;
	v5 =	vadd.f32 v5, v0  }
0x77: {  	v1 =	vld [tilespmem:s21+$0x6A70];
	v7 =	vadd.f32 v8, v0;
	[tilespmem:s18+$0x8370] =	vst v10  }
0x78: {  	v8 =	vld [tilespmem:s21+$0x9C70];
	v13 =	vadd.f32 v13, v0;
	[tilespmem:s18+$0x3870] =	vst v9  }
0x79: {  	v9 =	vld [tilespmem:s21+$0x1F70];
	[tilespmem:s18+$0x670] =	vst v3  }
0x7a: {  	v2 =	vadd.f32 v2, v11;
	v10 =	vld [tilespmem:s21+$0x8370];
	[tilespmem:s18+$0x8340] =	vst v13;
	v0 =	vmov v11  }
0x7b: {  	v3 =	vld [tilespmem:s21+$0x9C40];
	[tilespmem:s18+$0x1F40] =	vst v6  }
0x7c: {  	v6 =	vld [tilespmem:s21+$0xB540];
	[tilespmem:s18+$0x5170] =	vst v4  }
0x7d: {  	v4 =	vld [tilespmem:s21+$0xCE50];
	[tilespmem:s18+$0x3840] =	vst v5  }
0x7e: {  	v5 =	vld [tilespmem:s21+$0x650];
	[tilespmem:s18+$0x5140] =	vst v7;
	s18 =	smov.u32 s21  }
0x7f: {  	[tilespmem:s18+$0x6A40] =	vst v2;
	v2 =	vld [tilespmem:s18+$0x1F50]  }
0x80: {  	v3 =	vadd.f32 v3, v0;
	v7 =	vld [tilespmem:s18+$0x3850]  }
0x81: {  	v6 =	vadd.f32 v6, v0;
	v11 =	vld [tilespmem:s18+$0x5150]  }
0x82: {  	[tilespmem:s18+$0x9C40] =	vst v3;
	v3 =	vld [tilespmem:s18+$0x6A50]  }
0x83: {  	[tilespmem:s18+$0xB540] =	vst v6;
	v5 =	vadd.f32 v5, v4;
	v6 =	vld [tilespmem:s18+$0x8350]  }
0x84: {  	v2 =	vadd.f32 v2, v4;
	v13 =	vld [tilespmem:s18+$0x9C50]  }
0x85: {  	[tilespmem:s18+$0x650] =	vst v5;
	v5 =	vadd.f32 v7, v4;
	v7 =	vld [tilespmem:s18+$0xB550]  }
0x86: {  	[tilespmem:s18+$0x1F50] =	vst v2;
	v2 =	vadd.f32 v11, v4;
	v11 =	vld [tilespmem:s18+$0xCE60]  }
0x87: {  	[tilespmem:s18+$0x3850] =	vst v5;
	v3 =	vadd.f32 v3, v4;
	v5 =	vld [tilespmem:s18+$0x660]  }
0x88: {  	[tilespmem:s18+$0x5150] =	vst v2;
	v2 =	vadd.f32 v6, v4;
	v6 =	vld [tilespmem:s18+$0x1F60]  }
0x89: {  	[tilespmem:s18+$0x6A50] =	vst v3;
	v3 =	vadd.f32 v13, v4;
	v13 =	vld [tilespmem:s18+$0x3860]  }
0x8a: {  	[tilespmem:s18+$0x8350] =	vst v2;
	v2 =	vadd.f32 v7, v4;
	v4 =	vld [tilespmem:s18+$0x5160]  }
0x8b: {  	[tilespmem:s18+$0x9C50] =	vst v3;
	v3 =	vld [tilespmem:s18+$0x6A60]  }
0x8c: {  	[tilespmem:s18+$0xB550] =	vst v2;
	v2 =	vadd.f32 v5, v11;
	v5 =	vld [tilespmem:s18+$0x8360]  }
0x8d: {  	v6 =	vadd.f32 v6, v11;
	v7 =	vld [tilespmem:s18+$0x9C60]  }
0x8e: {  	[tilespmem:s18+$0x660] =	vst v2;
	v13 =	vadd.f32 v13, v11;
	v14 =	vld [tilespmem:s18+$0xB560]  }
0x8f: {  	[tilespmem:s18+$0x1F60] =	vst v6;
	v4 =	vadd.f32 v4, v11;
	v2 =	vld [tilespmem:s18+$0xCE70]  }
0x90: {  	[tilespmem:s18+$0x3860] =	vst v13;
	v3 =	vadd.f32 v3, v11;
	v13 =	vld [tilespmem:s18+$0x670]  }
0x91: {  	[tilespmem:s18+$0x5160] =	vst v4;
	v5 =	vadd.f32 v5, v11;
	v15 =	vld [tilespmem:s18+$0x3870]  }
.Ltmp1:
0x92: {  	[tilespmem:s18+$0x6A60] =	vst v3;
	v3 =	vadd.f32 v7, v11;
	v4 =	vld [tilespmem:s18+$0x5170];
	(pc) =	sbr.rel @p0 .LBB2_5-.Ltmp1, $4  }
0x93: {  	v7 =	vld [tilespmem:s18+$0x640];
	[tilespmem:s18+$0x8360] =	vst v5;
	v14 =	vadd.f32 v14, v11  }
0x94: {  	v6 =	vld [tilespmem:s18+$0x1F40];
	[tilespmem:s18+$0x9C60] =	vst v3;
	v9 =	vadd.f32 v9, v2;
	v11 =	vadd.f32 v12, v2  }
0x95: {  	v12 =	vadd.f32 v8, v2;
	v5 =	vld [tilespmem:s18+$0x3840];
	[tilespmem:s18+$0xB560] =	vst v14;
	v3 =	vadd.f32 v13, v2  }
0x96: {  	s20 =	sadd.s32 $0x100, s20;
	v10 =	vadd.f32 v10, v2;
	v8 =	vld [tilespmem:s18+$0x5140];
	[tilespmem:s18+$0x1F70] =	vst v9;
	v9 =	vadd.f32 v15, v2  }
0x97: {  	[tilespmem:s18+$0xB570] =	vst v11  }
0x98: {  	[tilespmem:s18+$0x9C70] =	vst v12  }
0x99: {  	[tilespmem:s18+$0x670] =	vst v3  }
0x9a: {  	v1 =	vadd.f32 v1, v2;
	[tilespmem:s18+$0x8370] =	vst v10  }
0x9b: {  	v13 =	vld [tilespmem:s18+$0x8340];
	v61 =	vadd.f32 v4, v2;
	[tilespmem:s18+$0x3870] =	vst v9  }
0x9c: {  	v7 =	vadd.f32 v7, v0;
	[tilespmem:s18+$0x6A70] =	vst v1  }
0x9d: {  	v6 =	vadd.f32 v6, v0;
	[tilespmem:s18+$0x5170] =	vst v61  }
0x9e: {  	[tilespmem:s18+$0x640] =	vst v7;
	v62 =	vadd.f32 v5, v0  }
0x9f: {  	[tilespmem:s18+$0x1F40] =	vst v6;
	v63 =	vadd.f32 v8, v0  }
0xa0: {  	s16 =	sadd.s32 $0x1, s16;
	v60 =	vadd.f32 v13, v0;
	[tilespmem:s18+$0x3840] =	vst v62  }
0xa1: {  	s17 =	sshll.u32 s17, $0x4;
	p0 =	sne.s32 s16, $0x10;
	[tilespmem:s18+$0x5140] =	vst v63  }
.Ltmp2:
0xa2: {  	s17 =	sadd.s32 s6, s17;
	[tilespmem:s18+$0x8340] =	vst v60;
	(pc) =	sbr.rel @p0 .LBB2_2-.Ltmp2, $4  }
0xa3: {  	[hbm4b:s17+s13] =	stream.strided.scatter [tilespmem:s11], [sflag:$0x2], $0xC800, s14, s13, $0x38;
	[tilespmem:$0xE740] =	vst v63  }
0xa4: {  	_ =	swait.ge [sflag:s10], $0xC800  }
0xa5: {  	[sflag:s10] =	ssyncset.done $0x0  }
0xa6: {  	[sflag:s10] =	ssyncadd.s32 $0xFFFF3800  }
0xa7: {  	s15 =	sadd.s32 $0x1, s15  }
0xa8: {  	p0 =	sne.s32 s15, s8  }
.Ltmp3:
0xa9: {  	_ = 	snop;
	(pc) =	sbr.rel @p0 .LBB2_1-.Ltmp3, $1  }
0xaa: {  	_ =	sdelay $0x3  }
0xab: {  	_ =	sfence.sel $0x180000  }
0xac: {  	[bflag:$0x0] =	sbarrier.arrive $0xFFFF  }
0xad: {  	p0 =	sne.s32 s3, $0x0;
	_ =	strace $0x90000047  }
0xae: {  	s0 =	sadd.s32 @!p0 $0x100000, s0;
	[bflag:$0x2] =	sbarrier.arrive $0xFFFF  }
0xaf: {  	[sflag:s0] =	ssyncadd.tile.s32 @!p0 $0x1;
	_ =	shalt  }
.Lfunc_end2:
_tile_overlayer_lowered:
.L_overlay_start_2:
0xb0: {  	(tag) =	ssettag $0x2  }
0xb1: {  	s0 =	rddreg [dreg:$0x0];
	s2 =	stileid.u32  }
0xb2: {  	s1 =	rddreg [dreg:$0x1];
	p0 =	sne.s32 s2, $0x0  }
0xb3: {  	s3 =	rddreg [dreg:$0x2];
	[bflag:$0x3] =	sbarrier.arrive $0xFFFF;
	s2 =	simm.s32 @!p0 $0x1C02  }
0xb4: {  	[timem:s3], [sflag:s2] =	dma.local @!p0 [hbm:s0], s1  }
0xb5: {  	s0 =	simm.s32 @!p0 $0x2  }
0xb6: {  	_ =	swait.ge @!p0 [sflag:s0], s1  }
0xb7: {  	s1 =	ssub.s32 @!p0 $0x0, s1;
	[sflag:s0] =	ssyncset.done @!p0 $0x0  }
0xb8: {  	[sflag:s0] =	ssyncadd.s32 @!p0 s1  }
0xb9: {  	[bflag:$0x3] =	sbarrier.arrive $0xFFFF  }
0xba: {  	_ =	shalt  }

// kernel: sparse-core-data-format-call.cloned.1.call-start
scs
called_computation_lowered:
.L_overlay_start_0:
0x0: {  	s2 =	sld [smem:$0x3FD9]  }
0x1: {  	s3 =	sld [smem:$0x3FFE];
	_ =	sdelay $0x1  }
0x2: {  	s1 =	srdreg.scid  }
0x3: {  	s0 =	sand.u32 $0x1, s1  }
0x4: {  	s18 =	sshll.u32 s0, $0xA;
	s2 =	sadd.s32 s3, s2  }
0x5: {  	s2 =	sadd.s32 s2, s18  }
0x6: {  	[smem:$0x3FC5] =	sst s2  }
0x7: {  	_ = 	snop  }
0x8: {  	s2 =	sld [smem:$0x3FD0];
	(tm) =	ssettm $0x1  }
0x9: {  	s19 =	sld [smem:$0x3FFB];
	_ =	sdelay $0x3  }
0xa: {  	_ =	strace s19  }
0xb: {  	s3 =	sld [smem:$0x3FFC];
	_ =	sdelay $0x3  }
0xc: {  	_ =	strace s3  }
0xd: {  	s3 =	sld [smem:$0x3FFD];
	_ =	sdelay $0x3  }
0xe: {  	_ =	strace s3  }
0xf: {  	_ =	strace $0x8FFFFFFF  }
0x10: {  	s20 =	sld [smem:$0x3FDB];
	_ =	sdelay $0x1  }
0x11: {  	s4 =	simm.s32 $_scs_section_size  }
0x12: {  	s5 =	simm.s32 $_size__tile_overlayer_lowered;
	s6 =	simm.s32 $_tile_overlayer_lowered  }
0x13: {  	s23 =	simm.s32 $0x1BFF;
	s22 =	sshll.u32 s6, $0x1;
	s3 =	sadd.s32 s4, s20  }
0x14: {  	s7 =	simm.s32 $0x0;
	s21 =	sshll.u32 s5, $0x1;
	s5 =	sadd.s32 s22, s3  }
0x15: {  	[timem:s7], [sflag:s23] =	dma.local [hbm:s5], s21  }
0x16: {  	_ =	swait.ge [sflag:s23], s21  }
0x17: {  	s4 =	ssub.s32 $0x0, s21;
	[sflag:s23] =	ssyncset.done $0x0  }
0x18: {  	[sflag:s23] =	ssyncadd.s32 s4;
	_ =	sdelay $0x1  }
0x19: {  	s24 =	simm.s32 $0x1B8B  }
0x1a: {  	_ =	swait.ge [sflag:s24], $0x1  }
0x1b: {  	[sflag:s24] =	ssyncset.done $0x0  }
0x1c: {  	s26 =	simm.s32 $0x1B8E;
	s25 =	sld [smem:$0x3FFE];
	[sflag:s24] =	ssyncadd.s32 $0xFFFFFFFF  }
0x1d: {  	s27 =	simm.s32 $execute0_lowered;
	[smem:$0x3FD2] =	sst s26  }
0x1e: {  	s5 =	sshll.u32 s27, $0x1;
	_ =	strace $0x80000049;
	[dreg:$0x1] =	wrdreg $0xFFFFFFFF  }
0x1f: {  	s28 =	simm.s32 $_size_execute0_lowered;
	s3 =	sadd.s32 s3, s5;
	[dreg:$0x0] =	wrdreg $0x0  }
0x20: {  	s5 =	sshll.u32 s28, $0x1;
	[dreg:$0x2] =	wrdreg s3  }
0x21: {  	[dreg:$0x3] =	wrdreg s5  }
0x22: {  	[dreg:$0x4] =	wrdreg $0xC0  }
0x23: {  	_ =	task [dreg:s7], $0x5FFFF  }
0x24: {  	[dreg:$0x1] =	wrdreg $0xFFFFFFFF  }
0x25: {  	[dreg:$0x0] =	wrdreg $0x60  }
0x26: {  	[dreg:$0x2] =	wrdreg s25  }
0x27: {  	[dreg:$0x3] =	wrdreg s2  }
0x28: {  	[dreg:$0x4] =	wrdreg $0x9  }
0x29: {  	_ =	task.clear_ibuf [dreg:s7], $0x5FFFF;
	_ =	strace $0x90000049  }
0x2a: {  	s29 =	simm.s32 $0x9;
	_ =	strace $0x8000004B  }
0x2b: {  	_ =	swait.ge [sflag:s29], $0x1  }
0x2c: {  	[sflag:s29] =	ssyncadd.s32 $0xFFFFFFFF  }
0x2d: {  	_ =	strace $0x9000004B  }
0x2e: {  	_ =	sfence  }
0x2f: {  	s30 =	sld [smem:$0x0];
	_ =	sdelay $0x2  }
0x30: {  	s31 =	sshll.u32 s1, $0xD;
	s1 =	sshrl.u32 s1, $0x2  }
0x31: {  	s3 =	sand.u32 $0x4000, s31;
	s1 =	sadd.s32 s1, s30  }
0x32: {  	s0 =	sor.u32 s3, s0;
	s1 =	sshll.u32 s1, $0x11  }
0x33: {  	s0 =	sor.u32 s1, s0  }
0x34: {  	s0 =	sadd.s32 $0x8F2B, s0  }
0x35: {  	[sflag:s0] =	ssyncadd.remote.s32 $0x1  }
0x36: {  	_ =	sfence.sel $0xFFFF  }
0x37: {  	[dreg:$0x0] =	wrdreg $0xFFFFFFFF;
	(pc) =	sbr.abs _section_cstart, $3  }
0x38: {  	[dreg:$0x1] =	wrdreg $0xFFFFFFFF  }
0x39: {  	_ =	task.clear_ibuf [dreg:s7], $0x2FFFF;
	_ =	strace $0x9FFFFFFF  }
0x3a: {  	(tm) =	ssettm $0x7FFFFFFF  }
0x3b: {  	_ =	shalt  }
tec
execute0_lowered:
.L_overlay_start_1:
0x0: {  	(tag) =	ssettag $0x1  }
0x1: {  	s0 =	srdreg.scid  }
0x2: {  	s1 =	sshll.u32 s0, $0x4  }
0x3: {  	s0 =	stileid.u32;
	s1 =	sand.u32 $0x10, s1  }
0x4: {  	s1 =	sor.u32 s0, s1  }
0x5: {  	s6 =	rddreg [dreg:$0x0];
	s4 =	simm.s32 $0x1;
	s2 =	sshll.u32 s1, $0x7  }
0x6: {  	s7 =	simm.s32 $0x2;
	s12 =	simm.s32 $0x0;
	s1 =	ssub.s32 $0x1000, s2  }
0x7: {  	s8 =	simm.s32 $0x8000;
	s13 =	simm.s32 $0x0;
	s3 =	sand.u32 $0xF80, s1  }
0x8: {  	s9 =	simm.s32 $0x0;
	s5 =	sshrl.u32 s1, $0xC;
	p0 =	sne.s32 s3, $0x0  }
.Ltmp0:
0x9: {  	s1 =	rddreg [dreg:$0x2];
	s4 =	simm.s32 @!p0 $0x0;
	(pc) =	sbr.rel .LBB1_1-.Ltmp0, $4  }
0xa: {  	s11 =	simm.s32 $0x0;
	s3 =	rddreg [dreg:$0x1];
	s5 =	sadd.s32 s4, s5  }
0xb: {  	_ =	strace $0x8000004A;
	s4 =	simm.s32 $0x1;
	s5 =	smul.u32 $0xC8, s5  }
0xc: {  	s6 =	sadd.s32 $0x3E0C00, s6;
	s10 =	smov.u32 s2;
	[sflag:s4] =	ssyncpa.u1 $0x0  }
0xd: {  	p0 =	por $0x0, $0x0;
	[sflag:s7] =	ssyncpa.u1 $0x0;
	s7 =	sor.u32 $0x1, s5  }
.LBB1_4:
0xe: {  	s16 =	sshll.u32 s13, $0x3;
	s17 =	sand.u32 $0x78, s13  }
0xf: {  	s30 =	sand.u32 $0x3E00, s13;
	s12 =	sshll.u32 s12, $0xE;
	s16 =	sand.u32 $0xC00, s16  }
0x10: {  	s31 =	sand.u32 $0x7, s13;
	s16 =	sor.u32 s17, s16;
	s17 =	sadd.s32 s3, s30  }
0x11: {  	s13 =	sshll.u32 s31, $0x12;
	s16 =	sshrl.u32 s16, $0x3;
	s12 =	sadd.s32 s12, s17  }
0x12: {  	[tilespmem:s15+$0x0 ss:$0x81] =	vst.msk $0xffff, v0;
	s13 =	sor.u32 $0x400, s13;
	s12 =	sadd.s32 s16, s12  }
0x13: {  	[hbm4b:s12+s13] =	stream.strided.scatter [tilespmem:s14], [sflag:$0x2], $0x1000, s8, s13, $0x20;
	[tilespmem:$0x4040] =	vst v63  }
.LBB1_5:
0x14: {  	s14 =	sadd.s32 $0x1, s9  }
0x15: {  	s12 =	sadd.s32 $0x1000, s10;
	s16 =	smov.u32 s10;
	p2 =	sgt.s32 s14, $0xC7  }
0x16: {  	s16 =	smov.u32 @p2 s12  }
0x17: {  	s14 =	simm.s32 @p2 $0x0;
	p2 =	sgt.s32 s16, $0xFFF  }
0x18: {  	s16 =	smov.u32 @p2 s2;
	p2 =	sne.s32 s11, s7  }
.Ltmp1:
0x19: {  	p1 =	slt.u32 s11, $0x2;
	(pc) =	sbr.rel @!p2 .LBB1_6-.Ltmp1, $4  }
0x1a: {  	s15 =	simm.s32 @!p1 $0x2  }
0x1b: {  	s13 =	smov.u32 s10;
	p0 =	por !p0, !p0;
	_ =	swait.ge @!p1 [sflag:s15], $0x1000  }
0x1c: {  	s12 =	smov.u32 s9;
	[sflag:s15] =	ssyncset.done @!p1 $0x0;
	s9 =	smov.u32 s14  }
0x1d: {  	s11 =	sadd.s32 $0x1, s11;
	[sflag:s15] =	ssyncadd.s32 @!p1 $0xFFFFF000;
	s10 =	smov.u32 s16  }
.LBB1_1:
0x1e: {  	p1 =	sge.u32 s11, s5  }
0x1f: {  	s14 =	sand.u32 @!p1 $0x1FFFFFF, s9  }
0x20: {  	s15 =	smulhi.u32 @!p1 $0x147AE15, s14;
	_ =	sdelay $0x1  }
0x21: {  	s15 =	smul.u32 @!p1 $0xC8, s15  }
0x22: {  	s16 =	sxor.u32 @!p1 $0xFFFFFFFF, s11;
	s17 =	smul.u32 @!p1 $0xC80, s10  }
0x23: {  	s31 =	sadd.s32 $0xFFFFFFFF, s11;
	s16 =	sshll.u32 @!p1 s16, $0xC;
	s14 =	ssub.s32 @!p1 s14, s15  }
0x24: {  	s15 =	sand.u32 @!p1 $0x1000, s16;
	s16 =	sadd.s32 @!p1 s6, s17;
	s14 =	sshll.u32 @!p1 s14, $0x4  }
0x25: {  	s17 =	simm.s32 @!p1 $0x6400;
	s14 =	sadd.s32 @!p1 s14, s16;
	s16 =	simm.s32 @!p1 $0x20  }
0x26: {  	[tilespmem:s15], [sflag:$0x1] =	stream.strided.gather @!p1 [hbm4b:s14+s16], $0x1000, s17, s16, $0x38;
	[tilespmem:$0x4040] =	vst v63  }
0x27: {  	p1 =	sge.u32 s31, s5  }
.Ltmp2:
0x28: {  	_ = 	snop;
	(pc) =	sbr.rel @p1 .LBB1_5-.Ltmp2, $1  }
0x29: {  	_ =	sdelay $0x3  }
0x2a: {  	s14 =	simm.s32 $0x1  }
0x2b: {  	_ =	swait.ge [sflag:s4], $0x1000;
	s14 =	simm.s32 @!p0 $0x0  }
0x2c: {  	[sflag:s4] =	ssyncset.done $0x0;
	s15 =	sshll.u32 s14, $0xC  }
0x2d: {  	[sflag:s4] =	ssyncadd.s32 $0xFFFFF000;
	s18 =	sor.u32 $0x10, s15  }
0x2e: {  	s14 =	smul.u32 $0x4080, s14;
	v1 =	vld [tilespmem:s18+$0x0]  }
0x2f: {  	s30 =	sand.u32 $0x1, s11;
	v0 =	vld [tilespmem:s18+$0xFFFFFFF0]  }
0x30: {  	s15 =	smul.u32 $0x4080, s30;
	s14 =	sshrl.u32 s14, $0x2  }
0x31: {  	s16 =	sor.u32 $0x2000, s14  }
0x32: {  	s31 =	sshrl.u32 s15, $0x2;
	s15 =	sadd.s32 $0x0, s16  }
0x33: {  	s17 =	simm.s32 $0x4;
	s18 =	sadd.s32 $0x20, s18;
	s14 =	sor.u32 $0x2000, s31;
	[tilespmem:s15+$0x810 ss:$0x81] =	vst.msk $0xffff, v1  }
.LBB1_3:
0x34: {  	v1 =	vld [tilespmem:s18+$0x0];
	p1 =	sne.s32 s17, $0x1FC;
	[tilespmem:s15+$0x0 ss:$0x81] =	vst.msk $0xffff, v0;
	s15 =	smov.u32 s17;
	s17 =	sadd.s32 $0x4, s17  }
.Ltmp3:
0x35: {  	v0 =	vld [tilespmem:s18+$0xFFFFFFF0];
	(pc) =	sbr.rel @p1 .LBB1_3-.Ltmp3, $4  }
0x36: {  	_ = 	snop  }
0x37: {  	s15 =	sshra.s32 s15, $0x2  }
0x38: {  	s15 =	sadd.s32 s15, s16  }
0x39: {  	s18 =	sadd.s32 $0x20, s18;
	[tilespmem:s15+$0x810 ss:$0x81] =	vst.msk $0xffff, v1  }
.Ltmp4:
0x3a: {  	_ = 	snop;
	(pc) =	sbr.rel .LBB1_4-.Ltmp4, $1  }
0x3b: {  	_ =	sdelay $0x3  }
.LBB1_6:
0x3c: {  	_ =	sfence.sel $0x180000  }
0x3d: {  	s2 =	simm.s32 $0x1;
	[bflag:$0x0] =	sbarrier.arrive $0xFFFF  }
0x3e: {  	s31 =	simm.s32 $0x2;
	[sflag:s2] =	ssyncpa.u1 $0x1  }
0x3f: {  	[sflag:s31] =	ssyncpa.u1 $0x1  }
0x40: {  	p0 =	sne.s32 s0, $0x0;
	_ =	strace $0x9000004A  }
0x41: {  	s0 =	sadd.s32 @!p0 $0x100000, s1;
	[bflag:$0x2] =	sbarrier.arrive $0xFFFF  }
0x42: {  	[sflag:s0] =	ssyncadd.tile.s32 @!p0 $0x1;
	_ =	shalt  }
.Lfunc_end1:
_tile_overlayer_lowered:
.L_overlay_start_2:
0x43: {  	(tag) =	ssettag $0x2  }
0x44: {  	s0 =	rddreg [dreg:$0x0];
	s2 =	stileid.u32  }
0x45: {  	s1 =	rddreg [dreg:$0x1];
	p0 =	sne.s32 s2, $0x0  }
0x46: {  	s3 =	rddreg [dreg:$0x2];
	[bflag:$0x3] =	sbarrier.arrive $0xFFFF;
	s2 =	simm.s32 @!p0 $0x1C01  }
0x47: {  	[timem:s3], [sflag:s2] =	dma.local @!p0 [hbm:s0], s1  }
0x48: {  	s0 =	simm.s32 @!p0 $0x1  }
0x49: {  	_ =	swait.ge @!p0 [sflag:s0], s1  }
0x4a: {  	s1 =	ssub.s32 @!p0 $0x0, s1;
	[sflag:s0] =	ssyncset.done @!p0 $0x0  }
0x4b: {  	[sflag:s0] =	ssyncadd.s32 @!p0 s1  }
0x4c: {  	[bflag:$0x3] =	sbarrier.arrive $0xFFFF  }
0x4d: {  	_ =	shalt  }

</sc_bundles>
